<compile_context>
chip_gen: v7x
topology: tpu7x:2x2x1
jax: 0.10.2.dev20260603
libtpu: 0.0.44.dev20260713+nightly
codegen_flags: <defaults>
</compile_context>

<pallas_src>
import functools

import jax
import jax.numpy as jnp
from jax import lax
from jax.experimental import pallas as pl
from jax.experimental.pallas import tpu as pltpu
from jax.experimental.pallas import tpu_sc as plsc

NC = 2
NS = 16
NW = NC * NS
CH = 128
NB = 8


@functools.lru_cache(maxsize=None)
def _build(N, D, NSLOT):
    assert N % (NW * CH) == 0
    b_per_w = N // NW
    nch = b_per_w // CH
    ngroups = nch // NB
    assert nch % NB == 0
    mesh = plsc.VectorSubcoreMesh(core_axis_name="c", subcore_axis_name="s")

    @functools.partial(
        pl.kernel,
        out_type=jax.ShapeDtypeStruct((NSLOT, D), jnp.float32),
        mesh=mesh,
        compiler_params=pltpu.CompilerParams(use_tc_tiling_on_sc=False),
        scratch_types=[
            pltpu.VMEM((nch, CH), jnp.int32),
            pltpu.VMEM((nch, CH), jnp.int32),
            pltpu.VMEM((NB, CH, D), jnp.float32),
        ] + [pltpu.SemaphoreType.DMA] * (2 * NB),
    )
    def emb(idx_hbm, dst_hbm, table_hbm, out_hbm, idx_v, dst_v, rows_v, *sems):
        gsems, wsems = sems[:NB], sems[NB:]
        wid = lax.axis_index("s") * NC + lax.axis_index("c")
        pltpu.sync_copy(idx_hbm.at[pl.ds(wid * nch, nch)], idx_v)
        pltpu.sync_copy(dst_hbm.at[pl.ds(wid * nch, nch)], dst_v)

        for b in range(NB):
            pltpu.async_copy(table_hbm.at[idx_v.at[b]], rows_v.at[b], gsems[b])

        def group(p, carry):
            for b in range(NB):
                j = p * NB + b
                pltpu.make_async_copy(
                    table_hbm.at[idx_v.at[j]], rows_v.at[b], gsems[b]
                ).wait()
                pltpu.async_copy(
                    rows_v.at[b], out_hbm.at[dst_v.at[j]], wsems[b]
                )
                bp = (b - 1) % NB
                jp = j - 1
                jn = jp + NB

                @pl.when(jp >= 0)
                def _():
                    pltpu.make_async_copy(
                        rows_v.at[bp], out_hbm.at[dst_v.at[jp]], wsems[bp]
                    ).wait()

                @pl.when(jnp.logical_and(jp >= 0, jn < nch))
                def _():
                    pltpu.async_copy(
                        table_hbm.at[idx_v.at[jn]], rows_v.at[bp], gsems[bp]
                    )
            return carry

        lax.fori_loop(0, ngroups, group, 0)
        bl = (nch - 1) % NB
        pltpu.make_async_copy(
            rows_v.at[bl], out_hbm.at[dst_v.at[nch - 1]], wsems[bl]
        ).wait()

    return emb


def kernel(X, table):
    B, H = X.shape
    N = B * H
    D = table.shape[1]
    assert D == 64
    HP = ((H + 7) // 8) * 8
    idx2d = X.reshape(N // CH, CH).astype(jnp.int32)
    n = jnp.arange(N, dtype=jnp.int32)
    dst2d = (2 * (HP * (n // H) + (n % H))).reshape(N // CH, CH)
    out = _build(N, D, B * HP * 2)(idx2d, dst2d, table)
    return out.reshape(B, HP, 2 * D)[:, :H, :D]

# --- scband reference (transcript-rebuilt; emitter-appended) ---
"""Pipeline reference for scband-embedding-17660905521396 (READ-ONLY COPY).

The authoritative reference and input builder live on the scoring server;
editing this copy changes nothing except your own understanding.
"""

import jax, jax.numpy as jnp
import numpy as np

VOCAB = 1000000
EMBED_DIM = 64
BATCH = 16384
HIST = 50

def setup_inputs(seed: int = 0) -> dict:
    key = jax.random.key(seed)
    k1, k2 = jax.random.split(key)
    X = jax.random.randint(k1, (BATCH, HIST), 0, VOCAB, dtype=jnp.int64 if jax.config.jax_enable_x64 else jnp.int32)
    table = jax.random.normal(k2, (VOCAB, EMBED_DIM), dtype=jnp.float32)
    return {"X": X, "table": table}

def reference(X, table):
    # nn.Embedding forward: row gather from the embedding table
    return jnp.take(table, X, axis=0)

if __name__ == "__main__":
    import jax
    _d = setup_inputs()
    print(jax.jit(kernel)(*tuple(_d.values())))

</pallas_src>

<mosaic_0001>
#map = affine_map<(d0, d1) -> (0, 0)>
module attributes {stable_mosaic.version = 14 : i64} {
  func.func @emb(%arg0: i32, %arg1: i32, %arg2: memref<6400x128xi32, #tpu.memory_space<hbm>>, %arg3: memref<6400x128xi32, #tpu.memory_space<hbm>>, %arg4: memref<1000000x64xf32, #tpu.memory_space<hbm>>, %arg5: memref<1835008x64xf32, #tpu.memory_space<hbm>>, %arg6: memref<200x128xi32, #tpu.memory_space<vmem>>, %arg7: memref<200x128xi32, #tpu.memory_space<vmem>>, %arg8: memref<8x128x64xf32, #tpu.memory_space<vmem>>, %arg9: memref<!tpu.dma_semaphore, #tpu.memory_space<semaphore_mem>>, %arg10: memref<!tpu.dma_semaphore, #tpu.memory_space<semaphore_mem>>, %arg11: memref<!tpu.dma_semaphore, #tpu.memory_space<semaphore_mem>>, %arg12: memref<!tpu.dma_semaphore, #tpu.memory_space<semaphore_mem>>, %arg13: memref<!tpu.dma_semaphore, #tpu.memory_space<semaphore_mem>>, %arg14: memref<!tpu.dma_semaphore, #tpu.memory_space<semaphore_mem>>, %arg15: memref<!tpu.dma_semaphore, #tpu.memory_space<semaphore_mem>>, %arg16: memref<!tpu.dma_semaphore, #tpu.memory_space<semaphore_mem>>, %arg17: memref<!tpu.dma_semaphore, #tpu.memory_space<semaphore_mem>>, %arg18: memref<!tpu.dma_semaphore, #tpu.memory_space<semaphore_mem>>, %arg19: memref<!tpu.dma_semaphore, #tpu.memory_space<semaphore_mem>>, %arg20: memref<!tpu.dma_semaphore, #tpu.memory_space<semaphore_mem>>, %arg21: memref<!tpu.dma_semaphore, #tpu.memory_space<semaphore_mem>>, %arg22: memref<!tpu.dma_semaphore, #tpu.memory_space<semaphore_mem>>, %arg23: memref<!tpu.dma_semaphore, #tpu.memory_space<semaphore_mem>>, %arg24: memref<!tpu.dma_semaphore, #tpu.memory_space<semaphore_mem>>) attributes {dimension_semantics = [#tpu.dimension_semantics<core_parallel>, #tpu.dimension_semantics<subcore_parallel>], iteration_bounds = array<i64: 2, 16>, scalar_prefetch = 0 : i64, scratch_operands = 19 : i64, tpu.core_type = #tpu.core_type<sc_vector_subcore>, window_params = [{transform_indices = #map}, {transform_indices = #map}, {transform_indices = #map}, {transform_indices = #map}]} {
    %mul3A = arith.constant 2 : i32
    %mul3A_0 = arith.muli %arg1, %mul3A : i32
    %add3A = arith.addi %mul3A_0, %arg0 : i32
    %mul3A_1 = arith.constant 200 : i32
    %mul3A_2 = arith.muli %add3A, %mul3A_1 : i32
    "tpu.region"() ({
      %run_scoped3A = tpu.sem_alloc : memref<!tpu.dma_semaphore, #tpu.memory_space<semaphore_mem>>
      %dma_start3A_116 = arith.constant 0 : i32
      %dma_start3A_117 = tpu.memref_slice %arg2[%mul3A_2, %dma_start3A_116] : memref<6400x128xi32, #tpu.memory_space<hbm>> -> memref<200x128xi32, #tpu.memory_space<hbm>>
      %dma_start3A_118 = arith.constant 0 : i32
      %dma_start3A_119 = tpu.memref_slice %arg2[%mul3A_2, %dma_start3A_118] : memref<6400x128xi32, #tpu.memory_space<hbm>> -> memref<200x128xi32, #tpu.memory_space<hbm>>
      tpu.enqueue_dma source(%dma_start3A_119 : memref<200x128xi32, #tpu.memory_space<hbm>>) target(%arg6 : memref<200x128xi32, #tpu.memory_space<vmem>>) target_semaphore(%run_scoped3A : memref<!tpu.dma_semaphore, #tpu.memory_space<semaphore_mem>>)
      %dma_wait3A_120 = arith.constant 0 : i32
      %dma_wait3A_121 = tpu.memref_slice %arg2[%mul3A_2, %dma_wait3A_120] : memref<6400x128xi32, #tpu.memory_space<hbm>> -> memref<200x128xi32, #tpu.memory_space<hbm>>
      %dma_wait3A_122 = arith.constant 0 : i32
      %dma_wait3A_123 = tpu.memref_slice %arg2[%mul3A_2, %dma_wait3A_122] : memref<6400x128xi32, #tpu.memory_space<hbm>> -> memref<200x128xi32, #tpu.memory_space<hbm>>
      tpu.wait_dma2 semaphore(%run_scoped3A : memref<!tpu.dma_semaphore, #tpu.memory_space<semaphore_mem>>) src(%dma_wait3A_123 : memref<200x128xi32, #tpu.memory_space<hbm>>) dst(%arg6 : memref<200x128xi32, #tpu.memory_space<vmem>>)
      tpu.yield
    }) : () -> ()
    %mul3A_3 = arith.constant 200 : i32
    %mul3A_4 = arith.muli %add3A, %mul3A_3 : i32
    "tpu.region"() ({
      %run_scoped3A = tpu.sem_alloc : memref<!tpu.dma_semaphore, #tpu.memory_space<semaphore_mem>>
      %dma_start3A_116 = arith.constant 0 : i32
      %dma_start3A_117 = tpu.memref_slice %arg3[%mul3A_4, %dma_start3A_116] : memref<6400x128xi32, #tpu.memory_space<hbm>> -> memref<200x128xi32, #tpu.memory_space<hbm>>
      %dma_start3A_118 = arith.constant 0 : i32
      %dma_start3A_119 = tpu.memref_slice %arg3[%mul3A_4, %dma_start3A_118] : memref<6400x128xi32, #tpu.memory_space<hbm>> -> memref<200x128xi32, #tpu.memory_space<hbm>>
      tpu.enqueue_dma source(%dma_start3A_119 : memref<200x128xi32, #tpu.memory_space<hbm>>) target(%arg7 : memref<200x128xi32, #tpu.memory_space<vmem>>) target_semaphore(%run_scoped3A : memref<!tpu.dma_semaphore, #tpu.memory_space<semaphore_mem>>)
      %dma_wait3A_120 = arith.constant 0 : i32
      %dma_wait3A_121 = tpu.memref_slice %arg3[%mul3A_4, %dma_wait3A_120] : memref<6400x128xi32, #tpu.memory_space<hbm>> -> memref<200x128xi32, #tpu.memory_space<hbm>>
      %dma_wait3A_122 = arith.constant 0 : i32
      %dma_wait3A_123 = tpu.memref_slice %arg3[%mul3A_4, %dma_wait3A_122] : memref<6400x128xi32, #tpu.memory_space<hbm>> -> memref<200x128xi32, #tpu.memory_space<hbm>>
      tpu.wait_dma2 semaphore(%run_scoped3A : memref<!tpu.dma_semaphore, #tpu.memory_space<semaphore_mem>>) src(%dma_wait3A_123 : memref<200x128xi32, #tpu.memory_space<hbm>>) dst(%arg7 : memref<200x128xi32, #tpu.memory_space<vmem>>)
      tpu.yield
    }) : () -> ()
    %dma_start3A = arith.constant 0 : i32
    %dma_start3A_5 = arith.constant 0 : i32
    %dma_start3A_6 = arith.constant 0 : i32
    %dma_start3A_7 = arith.constant 0 : i32
    %dma_start3A_8 = tpu.memref_slice %arg8[%dma_start3A_5, %dma_start3A_6, %dma_start3A_7] : memref<8x128x64xf32, #tpu.memory_space<vmem>> -> memref<1x128x64xf32, #tpu.memory_space<vmem>>
    %dma_start3A_9 = tpu.memref_squeeze %dma_start3A_8 : memref<1x128x64xf32, #tpu.memory_space<vmem>> -> memref<128x64xf32, #tpu.memory_space<vmem>>
    %dma_start3A_10 = arith.constant 0 : i32
    %dma_start3A_11 = tpu.memref_slice %arg6[%dma_start3A, %dma_start3A_10] : memref<200x128xi32, #tpu.memory_space<vmem>> -> memref<1x128xi32, #tpu.memory_space<vmem>>
    %dma_start3A_12 = tpu.memref_squeeze %dma_start3A_11 : memref<1x128xi32, #tpu.memory_space<vmem>> -> memref<128xi32, #tpu.memory_space<vmem>>
    %dma_start3A_13 = arith.constant 0 : i32
    %dma_start3A_14 = arith.constant 0 : i32
    %dma_start3A_15 = tpu.memref_slice %arg4[%dma_start3A_13, %dma_start3A_14] : memref<1000000x64xf32, #tpu.memory_space<hbm>> -> memref<1000000x64xf32, #tpu.memory_space<hbm>>
    tpu.enqueue_indirect_dma source(%dma_start3A_15 : memref<1000000x64xf32, #tpu.memory_space<hbm>>) target(%dma_start3A_9 : memref<128x64xf32, #tpu.memory_space<vmem>>) offsets(%dma_start3A_12 : memref<128xi32, #tpu.memory_space<vmem>>) semaphore(%arg9 : memref<!tpu.dma_semaphore, #tpu.memory_space<semaphore_mem>>)
    %dma_start3A_16 = arith.constant 1 : i32
    %dma_start3A_17 = arith.constant 1 : i32
    %dma_start3A_18 = arith.constant 0 : i32
    %dma_start3A_19 = arith.constant 0 : i32
    %dma_start3A_20 = tpu.memref_slice %arg8[%dma_start3A_17, %dma_start3A_18, %dma_start3A_19] : memref<8x128x64xf32, #tpu.memory_space<vmem>> -> memref<1x128x64xf32, #tpu.memory_space<vmem>>
    %dma_start3A_21 = tpu.memref_squeeze %dma_start3A_20 : memref<1x128x64xf32, #tpu.memory_space<vmem>> -> memref<128x64xf32, #tpu.memory_space<vmem>>
    %dma_start3A_22 = arith.constant 0 : i32
    %dma_start3A_23 = tpu.memref_slice %arg6[%dma_start3A_16, %dma_start3A_22] : memref<200x128xi32, #tpu.memory_space<vmem>> -> memref<1x128xi32, #tpu.memory_space<vmem>>
    %dma_start3A_24 = tpu.memref_squeeze %dma_start3A_23 : memref<1x128xi32, #tpu.memory_space<vmem>> -> memref<128xi32, #tpu.memory_space<vmem>>
    %dma_start3A_25 = arith.constant 0 : i32
    %dma_start3A_26 = arith.constant 0 : i32
    %dma_start3A_27 = tpu.memref_slice %arg4[%dma_start3A_25, %dma_start3A_26] : memref<1000000x64xf32, #tpu.memory_space<hbm>> -> memref<1000000x64xf32, #tpu.memory_space<hbm>>
    tpu.enqueue_indirect_dma source(%dma_start3A_27 : memref<1000000x64xf32, #tpu.memory_space<hbm>>) target(%dma_start3A_21 : memref<128x64xf32, #tpu.memory_space<vmem>>) offsets(%dma_start3A_24 : memref<128xi32, #tpu.memory_space<vmem>>) semaphore(%arg10 : memref<!tpu.dma_semaphore, #tpu.memory_space<semaphore_mem>>)
    %dma_start3A_28 = arith.constant 2 : i32
    %dma_start3A_29 = arith.constant 2 : i32
    %dma_start3A_30 = arith.constant 0 : i32
    %dma_start3A_31 = arith.constant 0 : i32
    %dma_start3A_32 = tpu.memref_slice %arg8[%dma_start3A_29, %dma_start3A_30, %dma_start3A_31] : memref<8x128x64xf32, #tpu.memory_space<vmem>> -> memref<1x128x64xf32, #tpu.memory_space<vmem>>
    %dma_start3A_33 = tpu.memref_squeeze %dma_start3A_32 : memref<1x128x64xf32, #tpu.memory_space<vmem>> -> memref<128x64xf32, #tpu.memory_space<vmem>>
    %dma_start3A_34 = arith.constant 0 : i32
    %dma_start3A_35 = tpu.memref_slice %arg6[%dma_start3A_28, %dma_start3A_34] : memref<200x128xi32, #tpu.memory_space<vmem>> -> memref<1x128xi32, #tpu.memory_space<vmem>>
    %dma_start3A_36 = tpu.memref_squeeze %dma_start3A_35 : memref<1x128xi32, #tpu.memory_space<vmem>> -> memref<128xi32, #tpu.memory_space<vmem>>
    %dma_start3A_37 = arith.constant 0 : i32
    %dma_start3A_38 = arith.constant 0 : i32
    %dma_start3A_39 = tpu.memref_slice %arg4[%dma_start3A_37, %dma_start3A_38] : memref<1000000x64xf32, #tpu.memory_space<hbm>> -> memref<1000000x64xf32, #tpu.memory_space<hbm>>
    tpu.enqueue_indirect_dma source(%dma_start3A_39 : memref<1000000x64xf32, #tpu.memory_space<hbm>>) target(%dma_start3A_33 : memref<128x64xf32, #tpu.memory_space<vmem>>) offsets(%dma_start3A_36 : memref<128xi32, #tpu.memory_space<vmem>>) semaphore(%arg11 : memref<!tpu.dma_semaphore, #tpu.memory_space<semaphore_mem>>)
    %dma_start3A_40 = arith.constant 3 : i32
    %dma_start3A_41 = arith.constant 3 : i32
    %dma_start3A_42 = arith.constant 0 : i32
    %dma_start3A_43 = arith.constant 0 : i32
    %dma_start3A_44 = tpu.memref_slice %arg8[%dma_start3A_41, %dma_start3A_42, %dma_start3A_43] : memref<8x128x64xf32, #tpu.memory_space<vmem>> -> memref<1x128x64xf32, #tpu.memory_space<vmem>>
    %dma_start3A_45 = tpu.memref_squeeze %dma_start3A_44 : memref<1x128x64xf32, #tpu.memory_space<vmem>> -> memref<128x64xf32, #tpu.memory_space<vmem>>
    %dma_start3A_46 = arith.constant 0 : i32
    %dma_start3A_47 = tpu.memref_slice %arg6[%dma_start3A_40, %dma_start3A_46] : memref<200x128xi32, #tpu.memory_space<vmem>> -> memref<1x128xi32, #tpu.memory_space<vmem>>
    %dma_start3A_48 = tpu.memref_squeeze %dma_start3A_47 : memref<1x128xi32, #tpu.memory_space<vmem>> -> memref<128xi32, #tpu.memory_space<vmem>>
    %dma_start3A_49 = arith.constant 0 : i32
    %dma_start3A_50 = arith.constant 0 : i32
    %dma_start3A_51 = tpu.memref_slice %arg4[%dma_start3A_49, %dma_start3A_50] : memref<1000000x64xf32, #tpu.memory_space<hbm>> -> memref<1000000x64xf32, #tpu.memory_space<hbm>>
    tpu.enqueue_indirect_dma source(%dma_start3A_51 : memref<1000000x64xf32, #tpu.memory_space<hbm>>) target(%dma_start3A_45 : memref<128x64xf32, #tpu.memory_space<vmem>>) offsets(%dma_start3A_48 : memref<128xi32, #tpu.memory_space<vmem>>) semaphore(%arg12 : memref<!tpu.dma_semaphore, #tpu.memory_space<semaphore_mem>>)
    %dma_start3A_52 = arith.constant 4 : i32
    %dma_start3A_53 = arith.constant 4 : i32
    %dma_start3A_54 = arith.constant 0 : i32
    %dma_start3A_55 = arith.constant 0 : i32
    %dma_start3A_56 = tpu.memref_slice %arg8[%dma_start3A_53, %dma_start3A_54, %dma_start3A_55] : memref<8x128x64xf32, #tpu.memory_space<vmem>> -> memref<1x128x64xf32, #tpu.memory_space<vmem>>
    %dma_start3A_57 = tpu.memref_squeeze %dma_start3A_56 : memref<1x128x64xf32, #tpu.memory_space<vmem>> -> memref<128x64xf32, #tpu.memory_space<vmem>>
    %dma_start3A_58 = arith.constant 0 : i32
    %dma_start3A_59 = tpu.memref_slice %arg6[%dma_start3A_52, %dma_start3A_58] : memref<200x128xi32, #tpu.memory_space<vmem>> -> memref<1x128xi32, #tpu.memory_space<vmem>>
    %dma_start3A_60 = tpu.memref_squeeze %dma_start3A_59 : memref<1x128xi32, #tpu.memory_space<vmem>> -> memref<128xi32, #tpu.memory_space<vmem>>
    %dma_start3A_61 = arith.constant 0 : i32
    %dma_start3A_62 = arith.constant 0 : i32
    %dma_start3A_63 = tpu.memref_slice %arg4[%dma_start3A_61, %dma_start3A_62] : memref<1000000x64xf32, #tpu.memory_space<hbm>> -> memref<1000000x64xf32, #tpu.memory_space<hbm>>
    tpu.enqueue_indirect_dma source(%dma_start3A_63 : memref<1000000x64xf32, #tpu.memory_space<hbm>>) target(%dma_start3A_57 : memref<128x64xf32, #tpu.memory_space<vmem>>) offsets(%dma_start3A_60 : memref<128xi32, #tpu.memory_space<vmem>>) semaphore(%arg13 : memref<!tpu.dma_semaphore, #tpu.memory_space<semaphore_mem>>)
    %dma_start3A_64 = arith.constant 5 : i32
    %dma_start3A_65 = arith.constant 5 : i32
    %dma_start3A_66 = arith.constant 0 : i32
    %dma_start3A_67 = arith.constant 0 : i32
    %dma_start3A_68 = tpu.memref_slice %arg8[%dma_start3A_65, %dma_start3A_66, %dma_start3A_67] : memref<8x128x64xf32, #tpu.memory_space<vmem>> -> memref<1x128x64xf32, #tpu.memory_space<vmem>>
    %dma_start3A_69 = tpu.memref_squeeze %dma_start3A_68 : memref<1x128x64xf32, #tpu.memory_space<vmem>> -> memref<128x64xf32, #tpu.memory_space<vmem>>
    %dma_start3A_70 = arith.constant 0 : i32
    %dma_start3A_71 = tpu.memref_slice %arg6[%dma_start3A_64, %dma_start3A_70] : memref<200x128xi32, #tpu.memory_space<vmem>> -> memref<1x128xi32, #tpu.memory_space<vmem>>
    %dma_start3A_72 = tpu.memref_squeeze %dma_start3A_71 : memref<1x128xi32, #tpu.memory_space<vmem>> -> memref<128xi32, #tpu.memory_space<vmem>>
    %dma_start3A_73 = arith.constant 0 : i32
    %dma_start3A_74 = arith.constant 0 : i32
    %dma_start3A_75 = tpu.memref_slice %arg4[%dma_start3A_73, %dma_start3A_74] : memref<1000000x64xf32, #tpu.memory_space<hbm>> -> memref<1000000x64xf32, #tpu.memory_space<hbm>>
    tpu.enqueue_indirect_dma source(%dma_start3A_75 : memref<1000000x64xf32, #tpu.memory_space<hbm>>) target(%dma_start3A_69 : memref<128x64xf32, #tpu.memory_space<vmem>>) offsets(%dma_start3A_72 : memref<128xi32, #tpu.memory_space<vmem>>) semaphore(%arg14 : memref<!tpu.dma_semaphore, #tpu.memory_space<semaphore_mem>>)
    %dma_start3A_76 = arith.constant 6 : i32
    %dma_start3A_77 = arith.constant 6 : i32
    %dma_start3A_78 = arith.constant 0 : i32
    %dma_start3A_79 = arith.constant 0 : i32
    %dma_start3A_80 = tpu.memref_slice %arg8[%dma_start3A_77, %dma_start3A_78, %dma_start3A_79] : memref<8x128x64xf32, #tpu.memory_space<vmem>> -> memref<1x128x64xf32, #tpu.memory_space<vmem>>
    %dma_start3A_81 = tpu.memref_squeeze %dma_start3A_80 : memref<1x128x64xf32, #tpu.memory_space<vmem>> -> memref<128x64xf32, #tpu.memory_space<vmem>>
    %dma_start3A_82 = arith.constant 0 : i32
    %dma_start3A_83 = tpu.memref_slice %arg6[%dma_start3A_76, %dma_start3A_82] : memref<200x128xi32, #tpu.memory_space<vmem>> -> memref<1x128xi32, #tpu.memory_space<vmem>>
    %dma_start3A_84 = tpu.memref_squeeze %dma_start3A_83 : memref<1x128xi32, #tpu.memory_space<vmem>> -> memref<128xi32, #tpu.memory_space<vmem>>
    %dma_start3A_85 = arith.constant 0 : i32
    %dma_start3A_86 = arith.constant 0 : i32
    %dma_start3A_87 = tpu.memref_slice %arg4[%dma_start3A_85, %dma_start3A_86] : memref<1000000x64xf32, #tpu.memory_space<hbm>> -> memref<1000000x64xf32, #tpu.memory_space<hbm>>
    tpu.enqueue_indirect_dma source(%dma_start3A_87 : memref<1000000x64xf32, #tpu.memory_space<hbm>>) target(%dma_start3A_81 : memref<128x64xf32, #tpu.memory_space<vmem>>) offsets(%dma_start3A_84 : memref<128xi32, #tpu.memory_space<vmem>>) semaphore(%arg15 : memref<!tpu.dma_semaphore, #tpu.memory_space<semaphore_mem>>)
    %dma_start3A_88 = arith.constant 7 : i32
    %dma_start3A_89 = arith.constant 7 : i32
    %dma_start3A_90 = arith.constant 0 : i32
    %dma_start3A_91 = arith.constant 0 : i32
    %dma_start3A_92 = tpu.memref_slice %arg8[%dma_start3A_89, %dma_start3A_90, %dma_start3A_91] : memref<8x128x64xf32, #tpu.memory_space<vmem>> -> memref<1x128x64xf32, #tpu.memory_space<vmem>>
    %dma_start3A_93 = tpu.memref_squeeze %dma_start3A_92 : memref<1x128x64xf32, #tpu.memory_space<vmem>> -> memref<128x64xf32, #tpu.memory_space<vmem>>
    %dma_start3A_94 = arith.constant 0 : i32
    %dma_start3A_95 = tpu.memref_slice %arg6[%dma_start3A_88, %dma_start3A_94] : memref<200x128xi32, #tpu.memory_space<vmem>> -> memref<1x128xi32, #tpu.memory_space<vmem>>
    %dma_start3A_96 = tpu.memref_squeeze %dma_start3A_95 : memref<1x128xi32, #tpu.memory_space<vmem>> -> memref<128xi32, #tpu.memory_space<vmem>>
    %dma_start3A_97 = arith.constant 0 : i32
    %dma_start3A_98 = arith.constant 0 : i32
    %dma_start3A_99 = tpu.memref_slice %arg4[%dma_start3A_97, %dma_start3A_98] : memref<1000000x64xf32, #tpu.memory_space<hbm>> -> memref<1000000x64xf32, #tpu.memory_space<hbm>>
    tpu.enqueue_indirect_dma source(%dma_start3A_99 : memref<1000000x64xf32, #tpu.memory_space<hbm>>) target(%dma_start3A_93 : memref<128x64xf32, #tpu.memory_space<vmem>>) offsets(%dma_start3A_96 : memref<128xi32, #tpu.memory_space<vmem>>) semaphore(%arg16 : memref<!tpu.dma_semaphore, #tpu.memory_space<semaphore_mem>>)
    %scan3A = arith.constant 0 : i32
    %scan3A_100 = arith.constant 0 : i32
    %scan3A_101 = arith.constant 25 : i32
    %scan3A_102 = arith.addi %scan3A_100, %scan3A_101 : i32
    %scan3A_103 = arith.constant 1 : i32
    scf.for %scan3A_116 = %scan3A_100 to %scan3A_102 step %scan3A_103  : i32 {
      %mul3A_117 = arith.constant 8 : i32
      %mul3A_118 = arith.muli %scan3A_116, %mul3A_117 : i32
      %add3A_119 = arith.constant 0 : i32
      %add3A_120 = arith.addi %mul3A_118, %add3A_119 : i32
      %dma_wait3A_121 = arith.constant 0 : i32
      %dma_wait3A_122 = arith.constant 0 : i32
      %dma_wait3A_123 = arith.constant 0 : i32
      %dma_wait3A_124 = tpu.memref_slice %arg8[%dma_wait3A_121, %dma_wait3A_122, %dma_wait3A_123] : memref<8x128x64xf32, #tpu.memory_space<vmem>> -> memref<1x128x64xf32, #tpu.memory_space<vmem>>
      %dma_wait3A_125 = tpu.memref_squeeze %dma_wait3A_124 : memref<1x128x64xf32, #tpu.memory_space<vmem>> -> memref<128x64xf32, #tpu.memory_space<vmem>>
      %dma_wait3A_126 = arith.constant 0 : i32
      %dma_wait3A_127 = tpu.memref_slice %arg6[%add3A_120, %dma_wait3A_126] : memref<200x128xi32, #tpu.memory_space<vmem>> -> memref<1x128xi32, #tpu.memory_space<vmem>>
      %dma_wait3A_128 = tpu.memref_squeeze %dma_wait3A_127 : memref<1x128xi32, #tpu.memory_space<vmem>> -> memref<128xi32, #tpu.memory_space<vmem>>
      %dma_wait3A_129 = arith.constant 0 : i32
      %dma_wait3A_130 = arith.constant 0 : i32
      %dma_wait3A_131 = tpu.memref_slice %arg4[%dma_wait3A_129, %dma_wait3A_130] : memref<1000000x64xf32, #tpu.memory_space<hbm>> -> memref<1000000x64xf32, #tpu.memory_space<hbm>>
      tpu.wait_indirect_dma semaphore(%arg9 : memref<!tpu.dma_semaphore, #tpu.memory_space<semaphore_mem>>) src(%dma_wait3A_131 : memref<1000000x64xf32, #tpu.memory_space<hbm>>) dst(%dma_wait3A_125 : memref<128x64xf32, #tpu.memory_space<vmem>>)
      %dma_start3A_132 = arith.constant 0 : i32
      %dma_start3A_133 = arith.constant 0 : i32
      %dma_start3A_134 = arith.constant 0 : i32
      %dma_start3A_135 = tpu.memref_slice %arg8[%dma_start3A_132, %dma_start3A_133, %dma_start3A_134] : memref<8x128x64xf32, #tpu.memory_space<vmem>> -> memref<1x128x64xf32, #tpu.memory_space<vmem>>
      %dma_start3A_136 = tpu.memref_squeeze %dma_start3A_135 : memref<1x128x64xf32, #tpu.memory_space<vmem>> -> memref<128x64xf32, #tpu.memory_space<vmem>>
      %dma_start3A_137 = arith.constant 0 : i32
      %dma_start3A_138 = tpu.memref_slice %arg7[%add3A_120, %dma_start3A_137] : memref<200x128xi32, #tpu.memory_space<vmem>> -> memref<1x128xi32, #tpu.memory_space<vmem>>
      %dma_start3A_139 = tpu.memref_squeeze %dma_start3A_138 : memref<1x128xi32, #tpu.memory_space<vmem>> -> memref<128xi32, #tpu.memory_space<vmem>>
      %dma_start3A_140 = arith.constant 0 : i32
      %dma_start3A_141 = arith.constant 0 : i32
      %dma_start3A_142 = tpu.memref_slice %arg5[%dma_start3A_140, %dma_start3A_141] : memref<1835008x64xf32, #tpu.memory_space<hbm>> -> memref<1835008x64xf32, #tpu.memory_space<hbm>>
      tpu.enqueue_indirect_dma source(%dma_start3A_136 : memref<128x64xf32, #tpu.memory_space<vmem>>) target(%dma_start3A_142 : memref<1835008x64xf32, #tpu.memory_space<hbm>>) offsets(%dma_start3A_139 : memref<128xi32, #tpu.memory_space<vmem>>) semaphore(%arg17 : memref<!tpu.dma_semaphore, #tpu.memory_space<semaphore_mem>>)
      %sub3A = arith.constant 1 : i32
      %sub3A_143 = arith.subi %add3A_120, %sub3A : i32
      %add3A_144 = arith.constant 8 : i32
      %add3A_145 = arith.addi %sub3A_143, %add3A_144 : i32
      %ge3A = arith.constant 0 : i32
      %ge3A_146 = arith.cmpi sge, %sub3A_143, %ge3A : i32
      %convert_element_type3A = arith.extui %ge3A_146 : i1 to i32
      %cond3A = arith.constant 0 : i32
      %cond3A_147 = arith.cmpi ne, %convert_element_type3A, %cond3A : i32
      scf.if %cond3A_147 {
        %dma_wait3A_455 = arith.constant 7 : i32
        %dma_wait3A_456 = arith.constant 0 : i32
        %dma_wait3A_457 = arith.constant 0 : i32
        %dma_wait3A_458 = tpu.memref_slice %arg8[%dma_wait3A_455, %dma_wait3A_456, %dma_wait3A_457] : memref<8x128x64xf32, #tpu.memory_space<vmem>> -> memref<1x128x64xf32, #tpu.memory_space<vmem>>
        %dma_wait3A_459 = tpu.memref_squeeze %dma_wait3A_458 : memref<1x128x64xf32, #tpu.memory_space<vmem>> -> memref<128x64xf32, #tpu.memory_space<vmem>>
        %dma_wait3A_460 = arith.constant 0 : i32
        %dma_wait3A_461 = tpu.memref_slice %arg7[%sub3A_143, %dma_wait3A_460] : memref<200x128xi32, #tpu.memory_space<vmem>> -> memref<1x128xi32, #tpu.memory_space<vmem>>
        %dma_wait3A_462 = tpu.memref_squeeze %dma_wait3A_461 : memref<1x128xi32, #tpu.memory_space<vmem>> -> memref<128xi32, #tpu.memory_space<vmem>>
        %dma_wait3A_463 = arith.constant 0 : i32
        %dma_wait3A_464 = arith.constant 0 : i32
        %dma_wait3A_465 = tpu.memref_slice %arg5[%dma_wait3A_463, %dma_wait3A_464] : memref<1835008x64xf32, #tpu.memory_space<hbm>> -> memref<1835008x64xf32, #tpu.memory_space<hbm>>
        tpu.wait_indirect_dma semaphore(%arg24 : memref<!tpu.dma_semaphore, #tpu.memory_space<semaphore_mem>>) src(%dma_wait3A_459 : memref<128x64xf32, #tpu.memory_space<vmem>>) dst(%dma_wait3A_465 : memref<1835008x64xf32, #tpu.memory_space<hbm>>)
      } else {
      }
      %ge3A_148 = arith.constant 0 : i32
      %ge3A_149 = arith.cmpi sge, %sub3A_143, %ge3A_148 : i32
      %lt3A = arith.constant 200 : i32
      %lt3A_150 = arith.cmpi slt, %add3A_145, %lt3A : i32
      %and3A = arith.andi %ge3A_149, %lt3A_150 : i1
      %convert_element_type3A_151 = arith.extui %and3A : i1 to i32
      %cond3A_152 = arith.constant 0 : i32
      %cond3A_153 = arith.cmpi ne, %convert_element_type3A_151, %cond3A_152 : i32
      scf.if %cond3A_153 {
        %dma_start3A_455 = arith.constant 7 : i32
        %dma_start3A_456 = arith.constant 0 : i32
        %dma_start3A_457 = arith.constant 0 : i32
        %dma_start3A_458 = tpu.memref_slice %arg8[%dma_start3A_455, %dma_start3A_456, %dma_start3A_457] : memref<8x128x64xf32, #tpu.memory_space<vmem>> -> memref<1x128x64xf32, #tpu.memory_space<vmem>>
        %dma_start3A_459 = tpu.memref_squeeze %dma_start3A_458 : memref<1x128x64xf32, #tpu.memory_space<vmem>> -> memref<128x64xf32, #tpu.memory_space<vmem>>
        %dma_start3A_460 = arith.constant 0 : i32
        %dma_start3A_461 = tpu.memref_slice %arg6[%add3A_145, %dma_start3A_460] : memref<200x128xi32, #tpu.memory_space<vmem>> -> memref<1x128xi32, #tpu.memory_space<vmem>>
        %dma_start3A_462 = tpu.memref_squeeze %dma_start3A_461 : memref<1x128xi32, #tpu.memory_space<vmem>> -> memref<128xi32, #tpu.memory_space<vmem>>
        %dma_start3A_463 = arith.constant 0 : i32
        %dma_start3A_464 = arith.constant 0 : i32
        %dma_start3A_465 = tpu.memref_slice %arg4[%dma_start3A_463, %dma_start3A_464] : memref<1000000x64xf32, #tpu.memory_space<hbm>> -> memref<1000000x64xf32, #tpu.memory_space<hbm>>
        tpu.enqueue_indirect_dma source(%dma_start3A_465 : memref<1000000x64xf32, #tpu.memory_space<hbm>>) target(%dma_start3A_459 : memref<128x64xf32, #tpu.memory_space<vmem>>) offsets(%dma_start3A_462 : memref<128xi32, #tpu.memory_space<vmem>>) semaphore(%arg16 : memref<!tpu.dma_semaphore, #tpu.memory_space<semaphore_mem>>)
      } else {
      }
      %mul3A_154 = arith.constant 8 : i32
      %mul3A_155 = arith.muli %scan3A_116, %mul3A_154 : i32
      %add3A_156 = arith.constant 1 : i32
      %add3A_157 = arith.addi %mul3A_155, %add3A_156 : i32
      %dma_wait3A_158 = arith.constant 1 : i32
      %dma_wait3A_159 = arith.constant 0 : i32
      %dma_wait3A_160 = arith.constant 0 : i32
      %dma_wait3A_161 = tpu.memref_slice %arg8[%dma_wait3A_158, %dma_wait3A_159, %dma_wait3A_160] : memref<8x128x64xf32, #tpu.memory_space<vmem>> -> memref<1x128x64xf32, #tpu.memory_space<vmem>>
      %dma_wait3A_162 = tpu.memref_squeeze %dma_wait3A_161 : memref<1x128x64xf32, #tpu.memory_space<vmem>> -> memref<128x64xf32, #tpu.memory_space<vmem>>
      %dma_wait3A_163 = arith.constant 0 : i32
      %dma_wait3A_164 = tpu.memref_slice %arg6[%add3A_157, %dma_wait3A_163] : memref<200x128xi32, #tpu.memory_space<vmem>> -> memref<1x128xi32, #tpu.memory_space<vmem>>
      %dma_wait3A_165 = tpu.memref_squeeze %dma_wait3A_164 : memref<1x128xi32, #tpu.memory_space<vmem>> -> memref<128xi32, #tpu.memory_space<vmem>>
      %dma_wait3A_166 = arith.constant 0 : i32
      %dma_wait3A_167 = arith.constant 0 : i32
      %dma_wait3A_168 = tpu.memref_slice %arg4[%dma_wait3A_166, %dma_wait3A_167] : memref<1000000x64xf32, #tpu.memory_space<hbm>> -> memref<1000000x64xf32, #tpu.memory_space<hbm>>
      tpu.wait_indirect_dma semaphore(%arg10 : memref<!tpu.dma_semaphore, #tpu.memory_space<semaphore_mem>>) src(%dma_wait3A_168 : memref<1000000x64xf32, #tpu.memory_space<hbm>>) dst(%dma_wait3A_162 : memref<128x64xf32, #tpu.memory_space<vmem>>)
      %dma_start3A_169 = arith.constant 1 : i32
      %dma_start3A_170 = arith.constant 0 : i32
      %dma_start3A_171 = arith.constant 0 : i32
      %dma_start3A_172 = tpu.memref_slice %arg8[%dma_start3A_169, %dma_start3A_170, %dma_start3A_171] : memref<8x128x64xf32, #tpu.memory_space<vmem>> -> memref<1x128x64xf32, #tpu.memory_space<vmem>>
      %dma_start3A_173 = tpu.memref_squeeze %dma_start3A_172 : memref<1x128x64xf32, #tpu.memory_space<vmem>> -> memref<128x64xf32, #tpu.memory_space<vmem>>
      %dma_start3A_174 = arith.constant 0 : i32
      %dma_start3A_175 = tpu.memref_slice %arg7[%add3A_157, %dma_start3A_174] : memref<200x128xi32, #tpu.memory_space<vmem>> -> memref<1x128xi32, #tpu.memory_space<vmem>>
      %dma_start3A_176 = tpu.memref_squeeze %dma_start3A_175 : memref<1x128xi32, #tpu.memory_space<vmem>> -> memref<128xi32, #tpu.memory_space<vmem>>
      %dma_start3A_177 = arith.constant 0 : i32
      %dma_start3A_178 = arith.constant 0 : i32
      %dma_start3A_179 = tpu.memref_slice %arg5[%dma_start3A_177, %dma_start3A_178] : memref<1835008x64xf32, #tpu.memory_space<hbm>> -> memref<1835008x64xf32, #tpu.memory_space<hbm>>
      tpu.enqueue_indirect_dma source(%dma_start3A_173 : memref<128x64xf32, #tpu.memory_space<vmem>>) target(%dma_start3A_179 : memref<1835008x64xf32, #tpu.memory_space<hbm>>) offsets(%dma_start3A_176 : memref<128xi32, #tpu.memory_space<vmem>>) semaphore(%arg18 : memref<!tpu.dma_semaphore, #tpu.memory_space<semaphore_mem>>)
      %sub3A_180 = arith.constant 1 : i32
      %sub3A_181 = arith.subi %add3A_157, %sub3A_180 : i32
      %add3A_182 = arith.constant 8 : i32
      %add3A_183 = arith.addi %sub3A_181, %add3A_182 : i32
      %ge3A_184 = arith.constant 0 : i32
      %ge3A_185 = arith.cmpi sge, %sub3A_181, %ge3A_184 : i32
      %convert_element_type3A_186 = arith.extui %ge3A_185 : i1 to i32
      %cond3A_187 = arith.constant 0 : i32
      %cond3A_188 = arith.cmpi ne, %convert_element_type3A_186, %cond3A_187 : i32
      scf.if %cond3A_188 {
        %dma_wait3A_455 = arith.constant 0 : i32
        %dma_wait3A_456 = arith.constant 0 : i32
        %dma_wait3A_457 = arith.constant 0 : i32
        %dma_wait3A_458 = tpu.memref_slice %arg8[%dma_wait3A_455, %dma_wait3A_456, %dma_wait3A_457] : memref<8x128x64xf32, #tpu.memory_space<vmem>> -> memref<1x128x64xf32, #tpu.memory_space<vmem>>
        %dma_wait3A_459 = tpu.memref_squeeze %dma_wait3A_458 : memref<1x128x64xf32, #tpu.memory_space<vmem>> -> memref<128x64xf32, #tpu.memory_space<vmem>>
        %dma_wait3A_460 = arith.constant 0 : i32
        %dma_wait3A_461 = tpu.memref_slice %arg7[%sub3A_181, %dma_wait3A_460] : memref<200x128xi32, #tpu.memory_space<vmem>> -> memref<1x128xi32, #tpu.memory_space<vmem>>
        %dma_wait3A_462 = tpu.memref_squeeze %dma_wait3A_461 : memref<1x128xi32, #tpu.memory_space<vmem>> -> memref<128xi32, #tpu.memory_space<vmem>>
        %dma_wait3A_463 = arith.constant 0 : i32
        %dma_wait3A_464 = arith.constant 0 : i32
        %dma_wait3A_465 = tpu.memref_slice %arg5[%dma_wait3A_463, %dma_wait3A_464] : memref<1835008x64xf32, #tpu.memory_space<hbm>> -> memref<1835008x64xf32, #tpu.memory_space<hbm>>
        tpu.wait_indirect_dma semaphore(%arg17 : memref<!tpu.dma_semaphore, #tpu.memory_space<semaphore_mem>>) src(%dma_wait3A_459 : memref<128x64xf32, #tpu.memory_space<vmem>>) dst(%dma_wait3A_465 : memref<1835008x64xf32, #tpu.memory_space<hbm>>)
      } else {
      }
      %ge3A_189 = arith.constant 0 : i32
      %ge3A_190 = arith.cmpi sge, %sub3A_181, %ge3A_189 : i32
      %lt3A_191 = arith.constant 200 : i32
      %lt3A_192 = arith.cmpi slt, %add3A_183, %lt3A_191 : i32
      %and3A_193 = arith.andi %ge3A_190, %lt3A_192 : i1
      %convert_element_type3A_194 = arith.extui %and3A_193 : i1 to i32
      %cond3A_195 = arith.constant 0 : i32
      %cond3A_196 = arith.cmpi ne, %convert_element_type3A_194, %cond3A_195 : i32
      scf.if %cond3A_196 {
        %dma_start3A_455 = arith.constant 0 : i32
        %dma_start3A_456 = arith.constant 0 : i32
        %dma_start3A_457 = arith.constant 0 : i32
        %dma_start3A_458 = tpu.memref_slice %arg8[%dma_start3A_455, %dma_start3A_456, %dma_start3A_457] : memref<8x128x64xf32, #tpu.memory_space<vmem>> -> memref<1x128x64xf32, #tpu.memory_space<vmem>>
        %dma_start3A_459 = tpu.memref_squeeze %dma_start3A_458 : memref<1x128x64xf32, #tpu.memory_space<vmem>> -> memref<128x64xf32, #tpu.memory_space<vmem>>
        %dma_start3A_460 = arith.constant 0 : i32
        %dma_start3A_461 = tpu.memref_slice %arg6[%add3A_183, %dma_start3A_460] : memref<200x128xi32, #tpu.memory_space<vmem>> -> memref<1x128xi32, #tpu.memory_space<vmem>>
        %dma_start3A_462 = tpu.memref_squeeze %dma_start3A_461 : memref<1x128xi32, #tpu.memory_space<vmem>> -> memref<128xi32, #tpu.memory_space<vmem>>
        %dma_start3A_463 = arith.constant 0 : i32
        %dma_start3A_464 = arith.constant 0 : i32
        %dma_start3A_465 = tpu.memref_slice %arg4[%dma_start3A_463, %dma_start3A_464] : memref<1000000x64xf32, #tpu.memory_space<hbm>> -> memref<1000000x64xf32, #tpu.memory_space<hbm>>
        tpu.enqueue_indirect_dma source(%dma_start3A_465 : memref<1000000x64xf32, #tpu.memory_space<hbm>>) target(%dma_start3A_459 : memref<128x64xf32, #tpu.memory_space<vmem>>) offsets(%dma_start3A_462 : memref<128xi32, #tpu.memory_space<vmem>>) semaphore(%arg9 : memref<!tpu.dma_semaphore, #tpu.memory_space<semaphore_mem>>)
      } else {
      }
      %mul3A_197 = arith.constant 8 : i32
      %mul3A_198 = arith.muli %scan3A_116, %mul3A_197 : i32
      %add3A_199 = arith.constant 2 : i32
      %add3A_200 = arith.addi %mul3A_198, %add3A_199 : i32
      %dma_wait3A_201 = arith.constant 2 : i32
      %dma_wait3A_202 = arith.constant 0 : i32
      %dma_wait3A_203 = arith.constant 0 : i32
      %dma_wait3A_204 = tpu.memref_slice %arg8[%dma_wait3A_201, %dma_wait3A_202, %dma_wait3A_203] : memref<8x128x64xf32, #tpu.memory_space<vmem>> -> memref<1x128x64xf32, #tpu.memory_space<vmem>>
      %dma_wait3A_205 = tpu.memref_squeeze %dma_wait3A_204 : memref<1x128x64xf32, #tpu.memory_space<vmem>> -> memref<128x64xf32, #tpu.memory_space<vmem>>
      %dma_wait3A_206 = arith.constant 0 : i32
      %dma_wait3A_207 = tpu.memref_slice %arg6[%add3A_200, %dma_wait3A_206] : memref<200x128xi32, #tpu.memory_space<vmem>> -> memref<1x128xi32, #tpu.memory_space<vmem>>
      %dma_wait3A_208 = tpu.memref_squeeze %dma_wait3A_207 : memref<1x128xi32, #tpu.memory_space<vmem>> -> memref<128xi32, #tpu.memory_space<vmem>>
      %dma_wait3A_209 = arith.constant 0 : i32
      %dma_wait3A_210 = arith.constant 0 : i32
      %dma_wait3A_211 = tpu.memref_slice %arg4[%dma_wait3A_209, %dma_wait3A_210] : memref<1000000x64xf32, #tpu.memory_space<hbm>> -> memref<1000000x64xf32, #tpu.memory_space<hbm>>
      tpu.wait_indirect_dma semaphore(%arg11 : memref<!tpu.dma_semaphore, #tpu.memory_space<semaphore_mem>>) src(%dma_wait3A_211 : memref<1000000x64xf32, #tpu.memory_space<hbm>>) dst(%dma_wait3A_205 : memref<128x64xf32, #tpu.memory_space<vmem>>)
      %dma_start3A_212 = arith.constant 2 : i32
      %dma_start3A_213 = arith.constant 0 : i32
      %dma_start3A_214 = arith.constant 0 : i32
      %dma_start3A_215 = tpu.memref_slice %arg8[%dma_start3A_212, %dma_start3A_213, %dma_start3A_214] : memref<8x128x64xf32, #tpu.memory_space<vmem>> -> memref<1x128x64xf32, #tpu.memory_space<vmem>>
      %dma_start3A_216 = tpu.memref_squeeze %dma_start3A_215 : memref<1x128x64xf32, #tpu.memory_space<vmem>> -> memref<128x64xf32, #tpu.memory_space<vmem>>
      %dma_start3A_217 = arith.constant 0 : i32
      %dma_start3A_218 = tpu.memref_slice %arg7[%add3A_200, %dma_start3A_217] : memref<200x128xi32, #tpu.memory_space<vmem>> -> memref<1x128xi32, #tpu.memory_space<vmem>>
      %dma_start3A_219 = tpu.memref_squeeze %dma_start3A_218 : memref<1x128xi32, #tpu.memory_space<vmem>> -> memref<128xi32, #tpu.memory_space<vmem>>
      %dma_start3A_220 = arith.constant 0 : i32
      %dma_start3A_221 = arith.constant 0 : i32
      %dma_start3A_222 = tpu.memref_slice %arg5[%dma_start3A_220, %dma_start3A_221] : memref<1835008x64xf32, #tpu.memory_space<hbm>> -> memref<1835008x64xf32, #tpu.memory_space<hbm>>
      tpu.enqueue_indirect_dma source(%dma_start3A_216 : memref<128x64xf32, #tpu.memory_space<vmem>>) target(%dma_start3A_222 : memref<1835008x64xf32, #tpu.memory_space<hbm>>) offsets(%dma_start3A_219 : memref<128xi32, #tpu.memory_space<vmem>>) semaphore(%arg19 : memref<!tpu.dma_semaphore, #tpu.memory_space<semaphore_mem>>)
      %sub3A_223 = arith.constant 1 : i32
      %sub3A_224 = arith.subi %add3A_200, %sub3A_223 : i32
      %add3A_225 = arith.constant 8 : i32
      %add3A_226 = arith.addi %sub3A_224, %add3A_225 : i32
      %ge3A_227 = arith.constant 0 : i32
      %ge3A_228 = arith.cmpi sge, %sub3A_224, %ge3A_227 : i32
      %convert_element_type3A_229 = arith.extui %ge3A_228 : i1 to i32
      %cond3A_230 = arith.constant 0 : i32
      %cond3A_231 = arith.cmpi ne, %convert_element_type3A_229, %cond3A_230 : i32
      scf.if %cond3A_231 {
        %dma_wait3A_455 = arith.constant 1 : i32
        %dma_wait3A_456 = arith.constant 0 : i32
        %dma_wait3A_457 = arith.constant 0 : i32
        %dma_wait3A_458 = tpu.memref_slice %arg8[%dma_wait3A_455, %dma_wait3A_456, %dma_wait3A_457] : memref<8x128x64xf32, #tpu.memory_space<vmem>> -> memref<1x128x64xf32, #tpu.memory_space<vmem>>
        %dma_wait3A_459 = tpu.memref_squeeze %dma_wait3A_458 : memref<1x128x64xf32, #tpu.memory_space<vmem>> -> memref<128x64xf32, #tpu.memory_space<vmem>>
        %dma_wait3A_460 = arith.constant 0 : i32
        %dma_wait3A_461 = tpu.memref_slice %arg7[%sub3A_224, %dma_wait3A_460] : memref<200x128xi32, #tpu.memory_space<vmem>> -> memref<1x128xi32, #tpu.memory_space<vmem>>
        %dma_wait3A_462 = tpu.memref_squeeze %dma_wait3A_461 : memref<1x128xi32, #tpu.memory_space<vmem>> -> memref<128xi32, #tpu.memory_space<vmem>>
        %dma_wait3A_463 = arith.constant 0 : i32
        %dma_wait3A_464 = arith.constant 0 : i32
        %dma_wait3A_465 = tpu.memref_slice %arg5[%dma_wait3A_463, %dma_wait3A_464] : memref<1835008x64xf32, #tpu.memory_space<hbm>> -> memref<1835008x64xf32, #tpu.memory_space<hbm>>
        tpu.wait_indirect_dma semaphore(%arg18 : memref<!tpu.dma_semaphore, #tpu.memory_space<semaphore_mem>>) src(%dma_wait3A_459 : memref<128x64xf32, #tpu.memory_space<vmem>>) dst(%dma_wait3A_465 : memref<1835008x64xf32, #tpu.memory_space<hbm>>)
      } else {
      }
      %ge3A_232 = arith.constant 0 : i32
      %ge3A_233 = arith.cmpi sge, %sub3A_224, %ge3A_232 : i32
      %lt3A_234 = arith.constant 200 : i32
      %lt3A_235 = arith.cmpi slt, %add3A_226, %lt3A_234 : i32
      %and3A_236 = arith.andi %ge3A_233, %lt3A_235 : i1
      %convert_element_type3A_237 = arith.extui %and3A_236 : i1 to i32
      %cond3A_238 = arith.constant 0 : i32
      %cond3A_239 = arith.cmpi ne, %convert_element_type3A_237, %cond3A_238 : i32
      scf.if %cond3A_239 {
        %dma_start3A_455 = arith.constant 1 : i32
        %dma_start3A_456 = arith.constant 0 : i32
        %dma_start3A_457 = arith.constant 0 : i32
        %dma_start3A_458 = tpu.memref_slice %arg8[%dma_start3A_455, %dma_start3A_456, %dma_start3A_457] : memref<8x128x64xf32, #tpu.memory_space<vmem>> -> memref<1x128x64xf32, #tpu.memory_space<vmem>>
        %dma_start3A_459 = tpu.memref_squeeze %dma_start3A_458 : memref<1x128x64xf32, #tpu.memory_space<vmem>> -> memref<128x64xf32, #tpu.memory_space<vmem>>
        %dma_start3A_460 = arith.constant 0 : i32
        %dma_start3A_461 = tpu.memref_slice %arg6[%add3A_226, %dma_start3A_460] : memref<200x128xi32, #tpu.memory_space<vmem>> -> memref<1x128xi32, #tpu.memory_space<vmem>>
        %dma_start3A_462 = tpu.memref_squeeze %dma_start3A_461 : memref<1x128xi32, #tpu.memory_space<vmem>> -> memref<128xi32, #tpu.memory_space<vmem>>
        %dma_start3A_463 = arith.constant 0 : i32
        %dma_start3A_464 = arith.constant 0 : i32
        %dma_start3A_465 = tpu.memref_slice %arg4[%dma_start3A_463, %dma_start3A_464] : memref<1000000x64xf32, #tpu.memory_space<hbm>> -> memref<1000000x64xf32, #tpu.memory_space<hbm>>
        tpu.enqueue_indirect_dma source(%dma_start3A_465 : memref<1000000x64xf32, #tpu.memory_space<hbm>>) target(%dma_start3A_459 : memref<128x64xf32, #tpu.memory_space<vmem>>) offsets(%dma_start3A_462 : memref<128xi32, #tpu.memory_space<vmem>>) semaphore(%arg10 : memref<!tpu.dma_semaphore, #tpu.memory_space<semaphore_mem>>)
      } else {
      }
      %mul3A_240 = arith.constant 8 : i32
      %mul3A_241 = arith.muli %scan3A_116, %mul3A_240 : i32
      %add3A_242 = arith.constant 3 : i32
      %add3A_243 = arith.addi %mul3A_241, %add3A_242 : i32
      %dma_wait3A_244 = arith.constant 3 : i32
      %dma_wait3A_245 = arith.constant 0 : i32
      %dma_wait3A_246 = arith.constant 0 : i32
      %dma_wait3A_247 = tpu.memref_slice %arg8[%dma_wait3A_244, %dma_wait3A_245, %dma_wait3A_246] : memref<8x128x64xf32, #tpu.memory_space<vmem>> -> memref<1x128x64xf32, #tpu.memory_space<vmem>>
      %dma_wait3A_248 = tpu.memref_squeeze %dma_wait3A_247 : memref<1x128x64xf32, #tpu.memory_space<vmem>> -> memref<128x64xf32, #tpu.memory_space<vmem>>
      %dma_wait3A_249 = arith.constant 0 : i32
      %dma_wait3A_250 = tpu.memref_slice %arg6[%add3A_243, %dma_wait3A_249] : memref<200x128xi32, #tpu.memory_space<vmem>> -> memref<1x128xi32, #tpu.memory_space<vmem>>
      %dma_wait3A_251 = tpu.memref_squeeze %dma_wait3A_250 : memref<1x128xi32, #tpu.memory_space<vmem>> -> memref<128xi32, #tpu.memory_space<vmem>>
      %dma_wait3A_252 = arith.constant 0 : i32
      %dma_wait3A_253 = arith.constant 0 : i32
      %dma_wait3A_254 = tpu.memref_slice %arg4[%dma_wait3A_252, %dma_wait3A_253] : memref<1000000x64xf32, #tpu.memory_space<hbm>> -> memref<1000000x64xf32, #tpu.memory_space<hbm>>
      tpu.wait_indirect_dma semaphore(%arg12 : memref<!tpu.dma_semaphore, #tpu.memory_space<semaphore_mem>>) src(%dma_wait3A_254 : memref<1000000x64xf32, #tpu.memory_space<hbm>>) dst(%dma_wait3A_248 : memref<128x64xf32, #tpu.memory_space<vmem>>)
      %dma_start3A_255 = arith.constant 3 : i32
      %dma_start3A_256 = arith.constant 0 : i32
      %dma_start3A_257 = arith.constant 0 : i32
      %dma_start3A_258 = tpu.memref_slice %arg8[%dma_start3A_255, %dma_start3A_256, %dma_start3A_257] : memref<8x128x64xf32, #tpu.memory_space<vmem>> -> memref<1x128x64xf32, #tpu.memory_space<vmem>>
      %dma_start3A_259 = tpu.memref_squeeze %dma_start3A_258 : memref<1x128x64xf32, #tpu.memory_space<vmem>> -> memref<128x64xf32, #tpu.memory_space<vmem>>
      %dma_start3A_260 = arith.constant 0 : i32
      %dma_start3A_261 = tpu.memref_slice %arg7[%add3A_243, %dma_start3A_260] : memref<200x128xi32, #tpu.memory_space<vmem>> -> memref<1x128xi32, #tpu.memory_space<vmem>>
      %dma_start3A_262 = tpu.memref_squeeze %dma_start3A_261 : memref<1x128xi32, #tpu.memory_space<vmem>> -> memref<128xi32, #tpu.memory_space<vmem>>
      %dma_start3A_263 = arith.constant 0 : i32
      %dma_start3A_264 = arith.constant 0 : i32
      %dma_start3A_265 = tpu.memref_slice %arg5[%dma_start3A_263, %dma_start3A_264] : memref<1835008x64xf32, #tpu.memory_space<hbm>> -> memref<1835008x64xf32, #tpu.memory_space<hbm>>
      tpu.enqueue_indirect_dma source(%dma_start3A_259 : memref<128x64xf32, #tpu.memory_space<vmem>>) target(%dma_start3A_265 : memref<1835008x64xf32, #tpu.memory_space<hbm>>) offsets(%dma_start3A_262 : memref<128xi32, #tpu.memory_space<vmem>>) semaphore(%arg20 : memref<!tpu.dma_semaphore, #tpu.memory_space<semaphore_mem>>)
      %sub3A_266 = arith.constant 1 : i32
      %sub3A_267 = arith.subi %add3A_243, %sub3A_266 : i32
      %add3A_268 = arith.constant 8 : i32
      %add3A_269 = arith.addi %sub3A_267, %add3A_268 : i32
      %ge3A_270 = arith.constant 0 : i32
      %ge3A_271 = arith.cmpi sge, %sub3A_267, %ge3A_270 : i32
      %convert_element_type3A_272 = arith.extui %ge3A_271 : i1 to i32
      %cond3A_273 = arith.constant 0 : i32
      %cond3A_274 = arith.cmpi ne, %convert_element_type3A_272, %cond3A_273 : i32
      scf.if %cond3A_274 {
        %dma_wait3A_455 = arith.constant 2 : i32
        %dma_wait3A_456 = arith.constant 0 : i32
        %dma_wait3A_457 = arith.constant 0 : i32
        %dma_wait3A_458 = tpu.memref_slice %arg8[%dma_wait3A_455, %dma_wait3A_456, %dma_wait3A_457] : memref<8x128x64xf32, #tpu.memory_space<vmem>> -> memref<1x128x64xf32, #tpu.memory_space<vmem>>
        %dma_wait3A_459 = tpu.memref_squeeze %dma_wait3A_458 : memref<1x128x64xf32, #tpu.memory_space<vmem>> -> memref<128x64xf32, #tpu.memory_space<vmem>>
        %dma_wait3A_460 = arith.constant 0 : i32
        %dma_wait3A_461 = tpu.memref_slice %arg7[%sub3A_267, %dma_wait3A_460] : memref<200x128xi32, #tpu.memory_space<vmem>> -> memref<1x128xi32, #tpu.memory_space<vmem>>
        %dma_wait3A_462 = tpu.memref_squeeze %dma_wait3A_461 : memref<1x128xi32, #tpu.memory_space<vmem>> -> memref<128xi32, #tpu.memory_space<vmem>>
        %dma_wait3A_463 = arith.constant 0 : i32
        %dma_wait3A_464 = arith.constant 0 : i32
        %dma_wait3A_465 = tpu.memref_slice %arg5[%dma_wait3A_463, %dma_wait3A_464] : memref<1835008x64xf32, #tpu.memory_space<hbm>> -> memref<1835008x64xf32, #tpu.memory_space<hbm>>
        tpu.wait_indirect_dma semaphore(%arg19 : memref<!tpu.dma_semaphore, #tpu.memory_space<semaphore_mem>>) src(%dma_wait3A_459 : memref<128x64xf32, #tpu.memory_space<vmem>>) dst(%dma_wait3A_465 : memref<1835008x64xf32, #tpu.memory_space<hbm>>)
      } else {
      }
      %ge3A_275 = arith.constant 0 : i32
      %ge3A_276 = arith.cmpi sge, %sub3A_267, %ge3A_275 : i32
      %lt3A_277 = arith.constant 200 : i32
      %lt3A_278 = arith.cmpi slt, %add3A_269, %lt3A_277 : i32
      %and3A_279 = arith.andi %ge3A_276, %lt3A_278 : i1
      %convert_element_type3A_280 = arith.extui %and3A_279 : i1 to i32
      %cond3A_281 = arith.constant 0 : i32
      %cond3A_282 = arith.cmpi ne, %convert_element_type3A_280, %cond3A_281 : i32
      scf.if %cond3A_282 {
        %dma_start3A_455 = arith.constant 2 : i32
        %dma_start3A_456 = arith.constant 0 : i32
        %dma_start3A_457 = arith.constant 0 : i32
        %dma_start3A_458 = tpu.memref_slice %arg8[%dma_start3A_455, %dma_start3A_456, %dma_start3A_457] : memref<8x128x64xf32, #tpu.memory_space<vmem>> -> memref<1x128x64xf32, #tpu.memory_space<vmem>>
        %dma_start3A_459 = tpu.memref_squeeze %dma_start3A_458 : memref<1x128x64xf32, #tpu.memory_space<vmem>> -> memref<128x64xf32, #tpu.memory_space<vmem>>
        %dma_start3A_460 = arith.constant 0 : i32
        %dma_start3A_461 = tpu.memref_slice %arg6[%add3A_269, %dma_start3A_460] : memref<200x128xi32, #tpu.memory_space<vmem>> -> memref<1x128xi32, #tpu.memory_space<vmem>>
        %dma_start3A_462 = tpu.memref_squeeze %dma_start3A_461 : memref<1x128xi32, #tpu.memory_space<vmem>> -> memref<128xi32, #tpu.memory_space<vmem>>
        %dma_start3A_463 = arith.constant 0 : i32
        %dma_start3A_464 = arith.constant 0 : i32
        %dma_start3A_465 = tpu.memref_slice %arg4[%dma_start3A_463, %dma_start3A_464] : memref<1000000x64xf32, #tpu.memory_space<hbm>> -> memref<1000000x64xf32, #tpu.memory_space<hbm>>
        tpu.enqueue_indirect_dma source(%dma_start3A_465 : memref<1000000x64xf32, #tpu.memory_space<hbm>>) target(%dma_start3A_459 : memref<128x64xf32, #tpu.memory_space<vmem>>) offsets(%dma_start3A_462 : memref<128xi32, #tpu.memory_space<vmem>>) semaphore(%arg11 : memref<!tpu.dma_semaphore, #tpu.memory_space<semaphore_mem>>)
      } else {
      }
      %mul3A_283 = arith.constant 8 : i32
      %mul3A_284 = arith.muli %scan3A_116, %mul3A_283 : i32
      %add3A_285 = arith.constant 4 : i32
      %add3A_286 = arith.addi %mul3A_284, %add3A_285 : i32
      %dma_wait3A_287 = arith.constant 4 : i32
      %dma_wait3A_288 = arith.constant 0 : i32
      %dma_wait3A_289 = arith.constant 0 : i32
      %dma_wait3A_290 = tpu.memref_slice %arg8[%dma_wait3A_287, %dma_wait3A_288, %dma_wait3A_289] : memref<8x128x64xf32, #tpu.memory_space<vmem>> -> memref<1x128x64xf32, #tpu.memory_space<vmem>>
      %dma_wait3A_291 = tpu.memref_squeeze %dma_wait3A_290 : memref<1x128x64xf32, #tpu.memory_space<vmem>> -> memref<128x64xf32, #tpu.memory_space<vmem>>
      %dma_wait3A_292 = arith.constant 0 : i32
      %dma_wait3A_293 = tpu.memref_slice %arg6[%add3A_286, %dma_wait3A_292] : memref<200x128xi32, #tpu.memory_space<vmem>> -> memref<1x128xi32, #tpu.memory_space<vmem>>
      %dma_wait3A_294 = tpu.memref_squeeze %dma_wait3A_293 : memref<1x128xi32, #tpu.memory_space<vmem>> -> memref<128xi32, #tpu.memory_space<vmem>>
      %dma_wait3A_295 = arith.constant 0 : i32
      %dma_wait3A_296 = arith.constant 0 : i32
      %dma_wait3A_297 = tpu.memref_slice %arg4[%dma_wait3A_295, %dma_wait3A_296] : memref<1000000x64xf32, #tpu.memory_space<hbm>> -> memref<1000000x64xf32, #tpu.memory_space<hbm>>
      tpu.wait_indirect_dma semaphore(%arg13 : memref<!tpu.dma_semaphore, #tpu.memory_space<semaphore_mem>>) src(%dma_wait3A_297 : memref<1000000x64xf32, #tpu.memory_space<hbm>>) dst(%dma_wait3A_291 : memref<128x64xf32, #tpu.memory_space<vmem>>)
      %dma_start3A_298 = arith.constant 4 : i32
      %dma_start3A_299 = arith.constant 0 : i32
      %dma_start3A_300 = arith.constant 0 : i32
      %dma_start3A_301 = tpu.memref_slice %arg8[%dma_start3A_298, %dma_start3A_299, %dma_start3A_300] : memref<8x128x64xf32, #tpu.memory_space<vmem>> -> memref<1x128x64xf32, #tpu.memory_space<vmem>>
      %dma_start3A_302 = tpu.memref_squeeze %dma_start3A_301 : memref<1x128x64xf32, #tpu.memory_space<vmem>> -> memref<128x64xf32, #tpu.memory_space<vmem>>
      %dma_start3A_303 = arith.constant 0 : i32
      %dma_start3A_304 = tpu.memref_slice %arg7[%add3A_286, %dma_start3A_303] : memref<200x128xi32, #tpu.memory_space<vmem>> -> memref<1x128xi32, #tpu.memory_space<vmem>>
      %dma_start3A_305 = tpu.memref_squeeze %dma_start3A_304 : memref<1x128xi32, #tpu.memory_space<vmem>> -> memref<128xi32, #tpu.memory_space<vmem>>
      %dma_start3A_306 = arith.constant 0 : i32
      %dma_start3A_307 = arith.constant 0 : i32
      %dma_start3A_308 = tpu.memref_slice %arg5[%dma_start3A_306, %dma_start3A_307] : memref<1835008x64xf32, #tpu.memory_space<hbm>> -> memref<1835008x64xf32, #tpu.memory_space<hbm>>
      tpu.enqueue_indirect_dma source(%dma_start3A_302 : memref<128x64xf32, #tpu.memory_space<vmem>>) target(%dma_start3A_308 : memref<1835008x64xf32, #tpu.memory_space<hbm>>) offsets(%dma_start3A_305 : memref<128xi32, #tpu.memory_space<vmem>>) semaphore(%arg21 : memref<!tpu.dma_semaphore, #tpu.memory_space<semaphore_mem>>)
      %sub3A_309 = arith.constant 1 : i32
      %sub3A_310 = arith.subi %add3A_286, %sub3A_309 : i32
      %add3A_311 = arith.constant 8 : i32
      %add3A_312 = arith.addi %sub3A_310, %add3A_311 : i32
      %ge3A_313 = arith.constant 0 : i32
      %ge3A_314 = arith.cmpi sge, %sub3A_310, %ge3A_313 : i32
      %convert_element_type3A_315 = arith.extui %ge3A_314 : i1 to i32
      %cond3A_316 = arith.constant 0 : i32
      %cond3A_317 = arith.cmpi ne, %convert_element_type3A_315, %cond3A_316 : i32
      scf.if %cond3A_317 {
        %dma_wait3A_455 = arith.constant 3 : i32
        %dma_wait3A_456 = arith.constant 0 : i32
        %dma_wait3A_457 = arith.constant 0 : i32
        %dma_wait3A_458 = tpu.memref_slice %arg8[%dma_wait3A_455, %dma_wait3A_456, %dma_wait3A_457] : memref<8x128x64xf32, #tpu.memory_space<vmem>> -> memref<1x128x64xf32, #tpu.memory_space<vmem>>
        %dma_wait3A_459 = tpu.memref_squeeze %dma_wait3A_458 : memref<1x128x64xf32, #tpu.memory_space<vmem>> -> memref<128x64xf32, #tpu.memory_space<vmem>>
        %dma_wait3A_460 = arith.constant 0 : i32
        %dma_wait3A_461 = tpu.memref_slice %arg7[%sub3A_310, %dma_wait3A_460] : memref<200x128xi32, #tpu.memory_space<vmem>> -> memref<1x128xi32, #tpu.memory_space<vmem>>
        %dma_wait3A_462 = tpu.memref_squeeze %dma_wait3A_461 : memref<1x128xi32, #tpu.memory_space<vmem>> -> memref<128xi32, #tpu.memory_space<vmem>>
        %dma_wait3A_463 = arith.constant 0 : i32
        %dma_wait3A_464 = arith.constant 0 : i32
        %dma_wait3A_465 = tpu.memref_slice %arg5[%dma_wait3A_463, %dma_wait3A_464] : memref<1835008x64xf32, #tpu.memory_space<hbm>> -> memref<1835008x64xf32, #tpu.memory_space<hbm>>
        tpu.wait_indirect_dma semaphore(%arg20 : memref<!tpu.dma_semaphore, #tpu.memory_space<semaphore_mem>>) src(%dma_wait3A_459 : memref<128x64xf32, #tpu.memory_space<vmem>>) dst(%dma_wait3A_465 : memref<1835008x64xf32, #tpu.memory_space<hbm>>)
      } else {
      }
      %ge3A_318 = arith.constant 0 : i32
      %ge3A_319 = arith.cmpi sge, %sub3A_310, %ge3A_318 : i32
      %lt3A_320 = arith.constant 200 : i32
      %lt3A_321 = arith.cmpi slt, %add3A_312, %lt3A_320 : i32
      %and3A_322 = arith.andi %ge3A_319, %lt3A_321 : i1
      %convert_element_type3A_323 = arith.extui %and3A_322 : i1 to i32
      %cond3A_324 = arith.constant 0 : i32
      %cond3A_325 = arith.cmpi ne, %convert_element_type3A_323, %cond3A_324 : i32
      scf.if %cond3A_325 {
        %dma_start3A_455 = arith.constant 3 : i32
        %dma_start3A_456 = arith.constant 0 : i32
        %dma_start3A_457 = arith.constant 0 : i32
        %dma_start3A_458 = tpu.memref_slice %arg8[%dma_start3A_455, %dma_start3A_456, %dma_start3A_457] : memref<8x128x64xf32, #tpu.memory_space<vmem>> -> memref<1x128x64xf32, #tpu.memory_space<vmem>>
        %dma_start3A_459 = tpu.memref_squeeze %dma_start3A_458 : memref<1x128x64xf32, #tpu.memory_space<vmem>> -> memref<128x64xf32, #tpu.memory_space<vmem>>
        %dma_start3A_460 = arith.constant 0 : i32
        %dma_start3A_461 = tpu.memref_slice %arg6[%add3A_312, %dma_start3A_460] : memref<200x128xi32, #tpu.memory_space<vmem>> -> memref<1x128xi32, #tpu.memory_space<vmem>>
        %dma_start3A_462 = tpu.memref_squeeze %dma_start3A_461 : memref<1x128xi32, #tpu.memory_space<vmem>> -> memref<128xi32, #tpu.memory_space<vmem>>
        %dma_start3A_463 = arith.constant 0 : i32
        %dma_start3A_464 = arith.constant 0 : i32
        %dma_start3A_465 = tpu.memref_slice %arg4[%dma_start3A_463, %dma_start3A_464] : memref<1000000x64xf32, #tpu.memory_space<hbm>> -> memref<1000000x64xf32, #tpu.memory_space<hbm>>
        tpu.enqueue_indirect_dma source(%dma_start3A_465 : memref<1000000x64xf32, #tpu.memory_space<hbm>>) target(%dma_start3A_459 : memref<128x64xf32, #tpu.memory_space<vmem>>) offsets(%dma_start3A_462 : memref<128xi32, #tpu.memory_space<vmem>>) semaphore(%arg12 : memref<!tpu.dma_semaphore, #tpu.memory_space<semaphore_mem>>)
      } else {
      }
      %mul3A_326 = arith.constant 8 : i32
      %mul3A_327 = arith.muli %scan3A_116, %mul3A_326 : i32
      %add3A_328 = arith.constant 5 : i32
      %add3A_329 = arith.addi %mul3A_327, %add3A_328 : i32
      %dma_wait3A_330 = arith.constant 5 : i32
      %dma_wait3A_331 = arith.constant 0 : i32
      %dma_wait3A_332 = arith.constant 0 : i32
      %dma_wait3A_333 = tpu.memref_slice %arg8[%dma_wait3A_330, %dma_wait3A_331, %dma_wait3A_332] : memref<8x128x64xf32, #tpu.memory_space<vmem>> -> memref<1x128x64xf32, #tpu.memory_space<vmem>>
      %dma_wait3A_334 = tpu.memref_squeeze %dma_wait3A_333 : memref<1x128x64xf32, #tpu.memory_space<vmem>> -> memref<128x64xf32, #tpu.memory_space<vmem>>
      %dma_wait3A_335 = arith.constant 0 : i32
      %dma_wait3A_336 = tpu.memref_slice %arg6[%add3A_329, %dma_wait3A_335] : memref<200x128xi32, #tpu.memory_space<vmem>> -> memref<1x128xi32, #tpu.memory_space<vmem>>
      %dma_wait3A_337 = tpu.memref_squeeze %dma_wait3A_336 : memref<1x128xi32, #tpu.memory_space<vmem>> -> memref<128xi32, #tpu.memory_space<vmem>>
      %dma_wait3A_338 = arith.constant 0 : i32
      %dma_wait3A_339 = arith.constant 0 : i32
      %dma_wait3A_340 = tpu.memref_slice %arg4[%dma_wait3A_338, %dma_wait3A_339] : memref<1000000x64xf32, #tpu.memory_space<hbm>> -> memref<1000000x64xf32, #tpu.memory_space<hbm>>
      tpu.wait_indirect_dma semaphore(%arg14 : memref<!tpu.dma_semaphore, #tpu.memory_space<semaphore_mem>>) src(%dma_wait3A_340 : memref<1000000x64xf32, #tpu.memory_space<hbm>>) dst(%dma_wait3A_334 : memref<128x64xf32, #tpu.memory_space<vmem>>)
      %dma_start3A_341 = arith.constant 5 : i32
      %dma_start3A_342 = arith.constant 0 : i32
      %dma_start3A_343 = arith.constant 0 : i32
      %dma_start3A_344 = tpu.memref_slice %arg8[%dma_start3A_341, %dma_start3A_342, %dma_start3A_343] : memref<8x128x64xf32, #tpu.memory_space<vmem>> -> memref<1x128x64xf32, #tpu.memory_space<vmem>>
      %dma_start3A_345 = tpu.memref_squeeze %dma_start3A_344 : memref<1x128x64xf32, #tpu.memory_space<vmem>> -> memref<128x64xf32, #tpu.memory_space<vmem>>
      %dma_start3A_346 = arith.constant 0 : i32
      %dma_start3A_347 = tpu.memref_slice %arg7[%add3A_329, %dma_start3A_346] : memref<200x128xi32, #tpu.memory_space<vmem>> -> memref<1x128xi32, #tpu.memory_space<vmem>>
      %dma_start3A_348 = tpu.memref_squeeze %dma_start3A_347 : memref<1x128xi32, #tpu.memory_space<vmem>> -> memref<128xi32, #tpu.memory_space<vmem>>
      %dma_start3A_349 = arith.constant 0 : i32
      %dma_start3A_350 = arith.constant 0 : i32
      %dma_start3A_351 = tpu.memref_slice %arg5[%dma_start3A_349, %dma_start3A_350] : memref<1835008x64xf32, #tpu.memory_space<hbm>> -> memref<1835008x64xf32, #tpu.memory_space<hbm>>
      tpu.enqueue_indirect_dma source(%dma_start3A_345 : memref<128x64xf32, #tpu.memory_space<vmem>>) target(%dma_start3A_351 : memref<1835008x64xf32, #tpu.memory_space<hbm>>) offsets(%dma_start3A_348 : memref<128xi32, #tpu.memory_space<vmem>>) semaphore(%arg22 : memref<!tpu.dma_semaphore, #tpu.memory_space<semaphore_mem>>)
      %sub3A_352 = arith.constant 1 : i32
      %sub3A_353 = arith.subi %add3A_329, %sub3A_352 : i32
      %add3A_354 = arith.constant 8 : i32
      %add3A_355 = arith.addi %sub3A_353, %add3A_354 : i32
      %ge3A_356 = arith.constant 0 : i32
      %ge3A_357 = arith.cmpi sge, %sub3A_353, %ge3A_356 : i32
      %convert_element_type3A_358 = arith.extui %ge3A_357 : i1 to i32
      %cond3A_359 = arith.constant 0 : i32
      %cond3A_360 = arith.cmpi ne, %convert_element_type3A_358, %cond3A_359 : i32
      scf.if %cond3A_360 {
        %dma_wait3A_455 = arith.constant 4 : i32
        %dma_wait3A_456 = arith.constant 0 : i32
        %dma_wait3A_457 = arith.constant 0 : i32
        %dma_wait3A_458 = tpu.memref_slice %arg8[%dma_wait3A_455, %dma_wait3A_456, %dma_wait3A_457] : memref<8x128x64xf32, #tpu.memory_space<vmem>> -> memref<1x128x64xf32, #tpu.memory_space<vmem>>
        %dma_wait3A_459 = tpu.memref_squeeze %dma_wait3A_458 : memref<1x128x64xf32, #tpu.memory_space<vmem>> -> memref<128x64xf32, #tpu.memory_space<vmem>>
        %dma_wait3A_460 = arith.constant 0 : i32
        %dma_wait3A_461 = tpu.memref_slice %arg7[%sub3A_353, %dma_wait3A_460] : memref<200x128xi32, #tpu.memory_space<vmem>> -> memref<1x128xi32, #tpu.memory_space<vmem>>
        %dma_wait3A_462 = tpu.memref_squeeze %dma_wait3A_461 : memref<1x128xi32, #tpu.memory_space<vmem>> -> memref<128xi32, #tpu.memory_space<vmem>>
        %dma_wait3A_463 = arith.constant 0 : i32
        %dma_wait3A_464 = arith.constant 0 : i32
        %dma_wait3A_465 = tpu.memref_slice %arg5[%dma_wait3A_463, %dma_wait3A_464] : memref<1835008x64xf32, #tpu.memory_space<hbm>> -> memref<1835008x64xf32, #tpu.memory_space<hbm>>
        tpu.wait_indirect_dma semaphore(%arg21 : memref<!tpu.dma_semaphore, #tpu.memory_space<semaphore_mem>>) src(%dma_wait3A_459 : memref<128x64xf32, #tpu.memory_space<vmem>>) dst(%dma_wait3A_465 : memref<1835008x64xf32, #tpu.memory_space<hbm>>)
      } else {
      }
      %ge3A_361 = arith.constant 0 : i32
      %ge3A_362 = arith.cmpi sge, %sub3A_353, %ge3A_361 : i32
      %lt3A_363 = arith.constant 200 : i32
      %lt3A_364 = arith.cmpi slt, %add3A_355, %lt3A_363 : i32
      %and3A_365 = arith.andi %ge3A_362, %lt3A_364 : i1
      %convert_element_type3A_366 = arith.extui %and3A_365 : i1 to i32
      %cond3A_367 = arith.constant 0 : i32
      %cond3A_368 = arith.cmpi ne, %convert_element_type3A_366, %cond3A_367 : i32
      scf.if %cond3A_368 {
        %dma_start3A_455 = arith.constant 4 : i32
        %dma_start3A_456 = arith.constant 0 : i32
        %dma_start3A_457 = arith.constant 0 : i32
        %dma_start3A_458 = tpu.memref_slice %arg8[%dma_start3A_455, %dma_start3A_456, %dma_start3A_457] : memref<8x128x64xf32, #tpu.memory_space<vmem>> -> memref<1x128x64xf32, #tpu.memory_space<vmem>>
        %dma_start3A_459 = tpu.memref_squeeze %dma_start3A_458 : memref<1x128x64xf32, #tpu.memory_space<vmem>> -> memref<128x64xf32, #tpu.memory_space<vmem>>
        %dma_start3A_460 = arith.constant 0 : i32
        %dma_start3A_461 = tpu.memref_slice %arg6[%add3A_355, %dma_start3A_460] : memref<200x128xi32, #tpu.memory_space<vmem>> -> memref<1x128xi32, #tpu.memory_space<vmem>>
        %dma_start3A_462 = tpu.memref_squeeze %dma_start3A_461 : memref<1x128xi32, #tpu.memory_space<vmem>> -> memref<128xi32, #tpu.memory_space<vmem>>
        %dma_start3A_463 = arith.constant 0 : i32
        %dma_start3A_464 = arith.constant 0 : i32
        %dma_start3A_465 = tpu.memref_slice %arg4[%dma_start3A_463, %dma_start3A_464] : memref<1000000x64xf32, #tpu.memory_space<hbm>> -> memref<1000000x64xf32, #tpu.memory_space<hbm>>
        tpu.enqueue_indirect_dma source(%dma_start3A_465 : memref<1000000x64xf32, #tpu.memory_space<hbm>>) target(%dma_start3A_459 : memref<128x64xf32, #tpu.memory_space<vmem>>) offsets(%dma_start3A_462 : memref<128xi32, #tpu.memory_space<vmem>>) semaphore(%arg13 : memref<!tpu.dma_semaphore, #tpu.memory_space<semaphore_mem>>)
      } else {
      }
      %mul3A_369 = arith.constant 8 : i32
      %mul3A_370 = arith.muli %scan3A_116, %mul3A_369 : i32
      %add3A_371 = arith.constant 6 : i32
      %add3A_372 = arith.addi %mul3A_370, %add3A_371 : i32
      %dma_wait3A_373 = arith.constant 6 : i32
      %dma_wait3A_374 = arith.constant 0 : i32
      %dma_wait3A_375 = arith.constant 0 : i32
      %dma_wait3A_376 = tpu.memref_slice %arg8[%dma_wait3A_373, %dma_wait3A_374, %dma_wait3A_375] : memref<8x128x64xf32, #tpu.memory_space<vmem>> -> memref<1x128x64xf32, #tpu.memory_space<vmem>>
      %dma_wait3A_377 = tpu.memref_squeeze %dma_wait3A_376 : memref<1x128x64xf32, #tpu.memory_space<vmem>> -> memref<128x64xf32, #tpu.memory_space<vmem>>
      %dma_wait3A_378 = arith.constant 0 : i32
      %dma_wait3A_379 = tpu.memref_slice %arg6[%add3A_372, %dma_wait3A_378] : memref<200x128xi32, #tpu.memory_space<vmem>> -> memref<1x128xi32, #tpu.memory_space<vmem>>
      %dma_wait3A_380 = tpu.memref_squeeze %dma_wait3A_379 : memref<1x128xi32, #tpu.memory_space<vmem>> -> memref<128xi32, #tpu.memory_space<vmem>>
      %dma_wait3A_381 = arith.constant 0 : i32
      %dma_wait3A_382 = arith.constant 0 : i32
      %dma_wait3A_383 = tpu.memref_slice %arg4[%dma_wait3A_381, %dma_wait3A_382] : memref<1000000x64xf32, #tpu.memory_space<hbm>> -> memref<1000000x64xf32, #tpu.memory_space<hbm>>
      tpu.wait_indirect_dma semaphore(%arg15 : memref<!tpu.dma_semaphore, #tpu.memory_space<semaphore_mem>>) src(%dma_wait3A_383 : memref<1000000x64xf32, #tpu.memory_space<hbm>>) dst(%dma_wait3A_377 : memref<128x64xf32, #tpu.memory_space<vmem>>)
      %dma_start3A_384 = arith.constant 6 : i32
      %dma_start3A_385 = arith.constant 0 : i32
      %dma_start3A_386 = arith.constant 0 : i32
      %dma_start3A_387 = tpu.memref_slice %arg8[%dma_start3A_384, %dma_start3A_385, %dma_start3A_386] : memref<8x128x64xf32, #tpu.memory_space<vmem>> -> memref<1x128x64xf32, #tpu.memory_space<vmem>>
      %dma_start3A_388 = tpu.memref_squeeze %dma_start3A_387 : memref<1x128x64xf32, #tpu.memory_space<vmem>> -> memref<128x64xf32, #tpu.memory_space<vmem>>
      %dma_start3A_389 = arith.constant 0 : i32
      %dma_start3A_390 = tpu.memref_slice %arg7[%add3A_372, %dma_start3A_389] : memref<200x128xi32, #tpu.memory_space<vmem>> -> memref<1x128xi32, #tpu.memory_space<vmem>>
      %dma_start3A_391 = tpu.memref_squeeze %dma_start3A_390 : memref<1x128xi32, #tpu.memory_space<vmem>> -> memref<128xi32, #tpu.memory_space<vmem>>
      %dma_start3A_392 = arith.constant 0 : i32
      %dma_start3A_393 = arith.constant 0 : i32
      %dma_start3A_394 = tpu.memref_slice %arg5[%dma_start3A_392, %dma_start3A_393] : memref<1835008x64xf32, #tpu.memory_space<hbm>> -> memref<1835008x64xf32, #tpu.memory_space<hbm>>
      tpu.enqueue_indirect_dma source(%dma_start3A_388 : memref<128x64xf32, #tpu.memory_space<vmem>>) target(%dma_start3A_394 : memref<1835008x64xf32, #tpu.memory_space<hbm>>) offsets(%dma_start3A_391 : memref<128xi32, #tpu.memory_space<vmem>>) semaphore(%arg23 : memref<!tpu.dma_semaphore, #tpu.memory_space<semaphore_mem>>)
      %sub3A_395 = arith.constant 1 : i32
      %sub3A_396 = arith.subi %add3A_372, %sub3A_395 : i32
      %add3A_397 = arith.constant 8 : i32
      %add3A_398 = arith.addi %sub3A_396, %add3A_397 : i32
      %ge3A_399 = arith.constant 0 : i32
      %ge3A_400 = arith.cmpi sge, %sub3A_396, %ge3A_399 : i32
      %convert_element_type3A_401 = arith.extui %ge3A_400 : i1 to i32
      %cond3A_402 = arith.constant 0 : i32
      %cond3A_403 = arith.cmpi ne, %convert_element_type3A_401, %cond3A_402 : i32
      scf.if %cond3A_403 {
        %dma_wait3A_455 = arith.constant 5 : i32
        %dma_wait3A_456 = arith.constant 0 : i32
        %dma_wait3A_457 = arith.constant 0 : i32
        %dma_wait3A_458 = tpu.memref_slice %arg8[%dma_wait3A_455, %dma_wait3A_456, %dma_wait3A_457] : memref<8x128x64xf32, #tpu.memory_space<vmem>> -> memref<1x128x64xf32, #tpu.memory_space<vmem>>
        %dma_wait3A_459 = tpu.memref_squeeze %dma_wait3A_458 : memref<1x128x64xf32, #tpu.memory_space<vmem>> -> memref<128x64xf32, #tpu.memory_space<vmem>>
        %dma_wait3A_460 = arith.constant 0 : i32
        %dma_wait3A_461 = tpu.memref_slice %arg7[%sub3A_396, %dma_wait3A_460] : memref<200x128xi32, #tpu.memory_space<vmem>> -> memref<1x128xi32, #tpu.memory_space<vmem>>
        %dma_wait3A_462 = tpu.memref_squeeze %dma_wait3A_461 : memref<1x128xi32, #tpu.memory_space<vmem>> -> memref<128xi32, #tpu.memory_space<vmem>>
        %dma_wait3A_463 = arith.constant 0 : i32
        %dma_wait3A_464 = arith.constant 0 : i32
        %dma_wait3A_465 = tpu.memref_slice %arg5[%dma_wait3A_463, %dma_wait3A_464] : memref<1835008x64xf32, #tpu.memory_space<hbm>> -> memref<1835008x64xf32, #tpu.memory_space<hbm>>
        tpu.wait_indirect_dma semaphore(%arg22 : memref<!tpu.dma_semaphore, #tpu.memory_space<semaphore_mem>>) src(%dma_wait3A_459 : memref<128x64xf32, #tpu.memory_space<vmem>>) dst(%dma_wait3A_465 : memref<1835008x64xf32, #tpu.memory_space<hbm>>)
      } else {
      }
      %ge3A_404 = arith.constant 0 : i32
      %ge3A_405 = arith.cmpi sge, %sub3A_396, %ge3A_404 : i32
      %lt3A_406 = arith.constant 200 : i32
      %lt3A_407 = arith.cmpi slt, %add3A_398, %lt3A_406 : i32
      %and3A_408 = arith.andi %ge3A_405, %lt3A_407 : i1
      %convert_element_type3A_409 = arith.extui %and3A_408 : i1 to i32
      %cond3A_410 = arith.constant 0 : i32
      %cond3A_411 = arith.cmpi ne, %convert_element_type3A_409, %cond3A_410 : i32
      scf.if %cond3A_411 {
        %dma_start3A_455 = arith.constant 5 : i32
        %dma_start3A_456 = arith.constant 0 : i32
        %dma_start3A_457 = arith.constant 0 : i32
        %dma_start3A_458 = tpu.memref_slice %arg8[%dma_start3A_455, %dma_start3A_456, %dma_start3A_457] : memref<8x128x64xf32, #tpu.memory_space<vmem>> -> memref<1x128x64xf32, #tpu.memory_space<vmem>>
        %dma_start3A_459 = tpu.memref_squeeze %dma_start3A_458 : memref<1x128x64xf32, #tpu.memory_space<vmem>> -> memref<128x64xf32, #tpu.memory_space<vmem>>
        %dma_start3A_460 = arith.constant 0 : i32
        %dma_start3A_461 = tpu.memref_slice %arg6[%add3A_398, %dma_start3A_460] : memref<200x128xi32, #tpu.memory_space<vmem>> -> memref<1x128xi32, #tpu.memory_space<vmem>>
        %dma_start3A_462 = tpu.memref_squeeze %dma_start3A_461 : memref<1x128xi32, #tpu.memory_space<vmem>> -> memref<128xi32, #tpu.memory_space<vmem>>
        %dma_start3A_463 = arith.constant 0 : i32
        %dma_start3A_464 = arith.constant 0 : i32
        %dma_start3A_465 = tpu.memref_slice %arg4[%dma_start3A_463, %dma_start3A_464] : memref<1000000x64xf32, #tpu.memory_space<hbm>> -> memref<1000000x64xf32, #tpu.memory_space<hbm>>
        tpu.enqueue_indirect_dma source(%dma_start3A_465 : memref<1000000x64xf32, #tpu.memory_space<hbm>>) target(%dma_start3A_459 : memref<128x64xf32, #tpu.memory_space<vmem>>) offsets(%dma_start3A_462 : memref<128xi32, #tpu.memory_space<vmem>>) semaphore(%arg14 : memref<!tpu.dma_semaphore, #tpu.memory_space<semaphore_mem>>)
      } else {
      }
      %mul3A_412 = arith.constant 8 : i32
      %mul3A_413 = arith.muli %scan3A_116, %mul3A_412 : i32
      %add3A_414 = arith.constant 7 : i32
      %add3A_415 = arith.addi %mul3A_413, %add3A_414 : i32
      %dma_wait3A_416 = arith.constant 7 : i32
      %dma_wait3A_417 = arith.constant 0 : i32
      %dma_wait3A_418 = arith.constant 0 : i32
      %dma_wait3A_419 = tpu.memref_slice %arg8[%dma_wait3A_416, %dma_wait3A_417, %dma_wait3A_418] : memref<8x128x64xf32, #tpu.memory_space<vmem>> -> memref<1x128x64xf32, #tpu.memory_space<vmem>>
      %dma_wait3A_420 = tpu.memref_squeeze %dma_wait3A_419 : memref<1x128x64xf32, #tpu.memory_space<vmem>> -> memref<128x64xf32, #tpu.memory_space<vmem>>
      %dma_wait3A_421 = arith.constant 0 : i32
      %dma_wait3A_422 = tpu.memref_slice %arg6[%add3A_415, %dma_wait3A_421] : memref<200x128xi32, #tpu.memory_space<vmem>> -> memref<1x128xi32, #tpu.memory_space<vmem>>
      %dma_wait3A_423 = tpu.memref_squeeze %dma_wait3A_422 : memref<1x128xi32, #tpu.memory_space<vmem>> -> memref<128xi32, #tpu.memory_space<vmem>>
      %dma_wait3A_424 = arith.constant 0 : i32
      %dma_wait3A_425 = arith.constant 0 : i32
      %dma_wait3A_426 = tpu.memref_slice %arg4[%dma_wait3A_424, %dma_wait3A_425] : memref<1000000x64xf32, #tpu.memory_space<hbm>> -> memref<1000000x64xf32, #tpu.memory_space<hbm>>
      tpu.wait_indirect_dma semaphore(%arg16 : memref<!tpu.dma_semaphore, #tpu.memory_space<semaphore_mem>>) src(%dma_wait3A_426 : memref<1000000x64xf32, #tpu.memory_space<hbm>>) dst(%dma_wait3A_420 : memref<128x64xf32, #tpu.memory_space<vmem>>)
      %dma_start3A_427 = arith.constant 7 : i32
      %dma_start3A_428 = arith.constant 0 : i32
      %dma_start3A_429 = arith.constant 0 : i32
      %dma_start3A_430 = tpu.memref_slice %arg8[%dma_start3A_427, %dma_start3A_428, %dma_start3A_429] : memref<8x128x64xf32, #tpu.memory_space<vmem>> -> memref<1x128x64xf32, #tpu.memory_space<vmem>>
      %dma_start3A_431 = tpu.memref_squeeze %dma_start3A_430 : memref<1x128x64xf32, #tpu.memory_space<vmem>> -> memref<128x64xf32, #tpu.memory_space<vmem>>
      %dma_start3A_432 = arith.constant 0 : i32
      %dma_start3A_433 = tpu.memref_slice %arg7[%add3A_415, %dma_start3A_432] : memref<200x128xi32, #tpu.memory_space<vmem>> -> memref<1x128xi32, #tpu.memory_space<vmem>>
      %dma_start3A_434 = tpu.memref_squeeze %dma_start3A_433 : memref<1x128xi32, #tpu.memory_space<vmem>> -> memref<128xi32, #tpu.memory_space<vmem>>
      %dma_start3A_435 = arith.constant 0 : i32
      %dma_start3A_436 = arith.constant 0 : i32
      %dma_start3A_437 = tpu.memref_slice %arg5[%dma_start3A_435, %dma_start3A_436] : memref<1835008x64xf32, #tpu.memory_space<hbm>> -> memref<1835008x64xf32, #tpu.memory_space<hbm>>
      tpu.enqueue_indirect_dma source(%dma_start3A_431 : memref<128x64xf32, #tpu.memory_space<vmem>>) target(%dma_start3A_437 : memref<1835008x64xf32, #tpu.memory_space<hbm>>) offsets(%dma_start3A_434 : memref<128xi32, #tpu.memory_space<vmem>>) semaphore(%arg24 : memref<!tpu.dma_semaphore, #tpu.memory_space<semaphore_mem>>)
      %sub3A_438 = arith.constant 1 : i32
      %sub3A_439 = arith.subi %add3A_415, %sub3A_438 : i32
      %add3A_440 = arith.constant 8 : i32
      %add3A_441 = arith.addi %sub3A_439, %add3A_440 : i32
      %ge3A_442 = arith.constant 0 : i32
      %ge3A_443 = arith.cmpi sge, %sub3A_439, %ge3A_442 : i32
      %convert_element_type3A_444 = arith.extui %ge3A_443 : i1 to i32
      %cond3A_445 = arith.constant 0 : i32
      %cond3A_446 = arith.cmpi ne, %convert_element_type3A_444, %cond3A_445 : i32
      scf.if %cond3A_446 {
        %dma_wait3A_455 = arith.constant 6 : i32
        %dma_wait3A_456 = arith.constant 0 : i32
        %dma_wait3A_457 = arith.constant 0 : i32
        %dma_wait3A_458 = tpu.memref_slice %arg8[%dma_wait3A_455, %dma_wait3A_456, %dma_wait3A_457] : memref<8x128x64xf32, #tpu.memory_space<vmem>> -> memref<1x128x64xf32, #tpu.memory_space<vmem>>
        %dma_wait3A_459 = tpu.memref_squeeze %dma_wait3A_458 : memref<1x128x64xf32, #tpu.memory_space<vmem>> -> memref<128x64xf32, #tpu.memory_space<vmem>>
        %dma_wait3A_460 = arith.constant 0 : i32
        %dma_wait3A_461 = tpu.memref_slice %arg7[%sub3A_439, %dma_wait3A_460] : memref<200x128xi32, #tpu.memory_space<vmem>> -> memref<1x128xi32, #tpu.memory_space<vmem>>
        %dma_wait3A_462 = tpu.memref_squeeze %dma_wait3A_461 : memref<1x128xi32, #tpu.memory_space<vmem>> -> memref<128xi32, #tpu.memory_space<vmem>>
        %dma_wait3A_463 = arith.constant 0 : i32
        %dma_wait3A_464 = arith.constant 0 : i32
        %dma_wait3A_465 = tpu.memref_slice %arg5[%dma_wait3A_463, %dma_wait3A_464] : memref<1835008x64xf32, #tpu.memory_space<hbm>> -> memref<1835008x64xf32, #tpu.memory_space<hbm>>
        tpu.wait_indirect_dma semaphore(%arg23 : memref<!tpu.dma_semaphore, #tpu.memory_space<semaphore_mem>>) src(%dma_wait3A_459 : memref<128x64xf32, #tpu.memory_space<vmem>>) dst(%dma_wait3A_465 : memref<1835008x64xf32, #tpu.memory_space<hbm>>)
      } else {
      }
      %ge3A_447 = arith.constant 0 : i32
      %ge3A_448 = arith.cmpi sge, %sub3A_439, %ge3A_447 : i32
      %lt3A_449 = arith.constant 200 : i32
      %lt3A_450 = arith.cmpi slt, %add3A_441, %lt3A_449 : i32
      %and3A_451 = arith.andi %ge3A_448, %lt3A_450 : i1
      %convert_element_type3A_452 = arith.extui %and3A_451 : i1 to i32
      %cond3A_453 = arith.constant 0 : i32
      %cond3A_454 = arith.cmpi ne, %convert_element_type3A_452, %cond3A_453 : i32
      scf.if %cond3A_454 {
        %dma_start3A_455 = arith.constant 6 : i32
        %dma_start3A_456 = arith.constant 0 : i32
        %dma_start3A_457 = arith.constant 0 : i32
        %dma_start3A_458 = tpu.memref_slice %arg8[%dma_start3A_455, %dma_start3A_456, %dma_start3A_457] : memref<8x128x64xf32, #tpu.memory_space<vmem>> -> memref<1x128x64xf32, #tpu.memory_space<vmem>>
        %dma_start3A_459 = tpu.memref_squeeze %dma_start3A_458 : memref<1x128x64xf32, #tpu.memory_space<vmem>> -> memref<128x64xf32, #tpu.memory_space<vmem>>
        %dma_start3A_460 = arith.constant 0 : i32
        %dma_start3A_461 = tpu.memref_slice %arg6[%add3A_441, %dma_start3A_460] : memref<200x128xi32, #tpu.memory_space<vmem>> -> memref<1x128xi32, #tpu.memory_space<vmem>>
        %dma_start3A_462 = tpu.memref_squeeze %dma_start3A_461 : memref<1x128xi32, #tpu.memory_space<vmem>> -> memref<128xi32, #tpu.memory_space<vmem>>
        %dma_start3A_463 = arith.constant 0 : i32
        %dma_start3A_464 = arith.constant 0 : i32
        %dma_start3A_465 = tpu.memref_slice %arg4[%dma_start3A_463, %dma_start3A_464] : memref<1000000x64xf32, #tpu.memory_space<hbm>> -> memref<1000000x64xf32, #tpu.memory_space<hbm>>
        tpu.enqueue_indirect_dma source(%dma_start3A_465 : memref<1000000x64xf32, #tpu.memory_space<hbm>>) target(%dma_start3A_459 : memref<128x64xf32, #tpu.memory_space<vmem>>) offsets(%dma_start3A_462 : memref<128xi32, #tpu.memory_space<vmem>>) semaphore(%arg15 : memref<!tpu.dma_semaphore, #tpu.memory_space<semaphore_mem>>)
      } else {
      }
    }
    %scan3A_104 = arith.constant 25 : i32
    %dma_wait3A = arith.constant 7 : i32
    %dma_wait3A_105 = arith.constant 199 : i32
    %dma_wait3A_106 = arith.constant 0 : i32
    %dma_wait3A_107 = arith.constant 0 : i32
    %dma_wait3A_108 = tpu.memref_slice %arg8[%dma_wait3A, %dma_wait3A_106, %dma_wait3A_107] : memref<8x128x64xf32, #tpu.memory_space<vmem>> -> memref<1x128x64xf32, #tpu.memory_space<vmem>>
    %dma_wait3A_109 = tpu.memref_squeeze %dma_wait3A_108 : memref<1x128x64xf32, #tpu.memory_space<vmem>> -> memref<128x64xf32, #tpu.memory_space<vmem>>
    %dma_wait3A_110 = arith.constant 0 : i32
    %dma_wait3A_111 = tpu.memref_slice %arg7[%dma_wait3A_105, %dma_wait3A_110] : memref<200x128xi32, #tpu.memory_space<vmem>> -> memref<1x128xi32, #tpu.memory_space<vmem>>
    %dma_wait3A_112 = tpu.memref_squeeze %dma_wait3A_111 : memref<1x128xi32, #tpu.memory_space<vmem>> -> memref<128xi32, #tpu.memory_space<vmem>>
    %dma_wait3A_113 = arith.constant 0 : i32
    %dma_wait3A_114 = arith.constant 0 : i32
    %dma_wait3A_115 = tpu.memref_slice %arg5[%dma_wait3A_113, %dma_wait3A_114] : memref<1835008x64xf32, #tpu.memory_space<hbm>> -> memref<1835008x64xf32, #tpu.memory_space<hbm>>
    tpu.wait_indirect_dma semaphore(%arg24 : memref<!tpu.dma_semaphore, #tpu.memory_space<semaphore_mem>>) src(%dma_wait3A_109 : memref<128x64xf32, #tpu.memory_space<vmem>>) dst(%dma_wait3A_115 : memref<1835008x64xf32, #tpu.memory_space<hbm>>)
    return
  }
}

</mosaic_0001>

<sc_bundles>
// kernel: kernel.3.cloned.1.call-start
scs
__scs_entry_jumppad:
0x0: {  	(pc) =	sbr.rel $0x88, $3  }
0x1: {  	(tag) =	ssettag $0x0;
	lr =	simm.s32 $0x1  }
0x2: {  	[smem:$0x3F9F] =	sst lr;
	_ =	strace $0xD0000000  }
0x3: {  	_ = 	snop  }
0x4: {  	_ = 	snop  }
0x5: {  	_ = 	snop  }
0x6: {  	_ = 	snop  }
0x7: {  	_ = 	snop  }
__scs_overlays_trampoline_lowered:
0x8: {  	[smem:$0x3FAE] =	sst s0  }
0x9: {  	[smem:$0x3FAF] =	sst s1  }
0xa: {  	[smem:$0x3FB0] =	sst s2  }
0xb: {  	[smem:$0x3FB1] =	sst s3  }
0xc: {  	[smem:$0x3FB2] =	sst s4  }
0xd: {  	[smem:$0x3FB3] =	sst s5  }
0xe: {  	[smem:$0x3FB4] =	sst s6  }
0xf: {  	[smem:$0x3FB5] =	sst s7  }
0x10: {  	[smem:$0x3FB6] =	sst s8  }
0x11: {  	[smem:$0x3FB7] =	sst s9;
	s0 =	simm.s32 @!p0 $0x0  }
0x12: {  	s1 =	sld [smem:$0x3F9D];
	s0 =	simm.s32 @p0 $0x1  }
0x13: {  	[smem:$0x3FB8] =	sst s0;
	s0 =	simm.s32 @!p1 $0x0  }
0x14: {  	s2 =	sld [smem:$0x3F9C];
	s0 =	simm.s32 @p1 $0x1  }
0x15: {  	[smem:$0x3FB9] =	sst s0;
	s0 =	simm.s32 @!p2 $0x0  }
0x16: {  	s3 =	sld [smem:$0x3FDB];
	s0 =	simm.s32 @p2 $0x1  }
0x17: {  	s4 =	simm.s32 $0x1BF5;
	[smem:$0x3FBB] =	sst s0  }
0x18: {  	s0 =	sld [smem:$0x3F9E];
	_ =	swait.ge [sflag:s4], $0x0  }
0x19: {  	s7 =	sld [smem:$0x3F9F]  }
0x1a: {  	s8 =	sadd.s32 $0xFFFFE003, lr  }
0x1b: {  	s9 =	sadd.s32 $0xFFFFFEF7, lr;
	s5 =	simm.s32 $0xFFFFFFFF;
	p2 =	slt.u32 s8, $0xFFFFF086  }
0x1c: {  	p1 =	slt.u32 s9, $0xF7A;
	s5 =	simm.s32 @!p2 $0x0  }
0x1d: {  	s5 =	simm.s32 @p1 $0x1;
	p0 =	seq.s32 s7, s2  }
0x1e: {  	s7 =	smul.u32 @!p0 $0xF7A, s2;
	p2 =	seq.s32 @!p0 s5, $0x0  }
0x1f: {  	s9 =	smul.u32 $0xF7A, s1;
	s8 =	simm.s32 @!p0 $0x1BF5;
	p2 =	por !p2, p0  }
0x20: {  	[sflag:s8] =	ssyncset.s32 @!p0 $0xFFFFF086;
	s6 =	sadd.s32 @!p0 s3, s7;
	s7 =	simm.s32 @!p0 $0x108  }
0x21: {  	s3 =	sadd.s32 s3, s9;
	s6 =	sadd.s32 @!p0 $0x88, s6;
	s7 =	simm.s32 @p2 $0x1082  }
0x22: {  	[simem:s7], [sflag:s8] =	dma.local @!p0 [hbm:s6], $0xF7A  }
0x23: {  	s9 =	sor.u32 $0xD0000000, s2;
	s6 =	simm.s32 $0x108;
	_ =	swait.ge @!p0 [sflag:s8], $0x0  }
0x24: {  	s3 =	sadd.s32 $0x88, s3;
	s6 =	simm.s32 @!p1 $0x1082;
	[sflag:s4] =	ssyncset.s32 $0xFFFFF086  }
0x25: {  	[simem:s6], [sflag:s4] =	dma.local [hbm:s3], $0xF7A  }
0x26: {  	[smem:$0x3F9F] =	sst s1;
	(tag) =	ssettag s2;
	_ =	strace s9  }
0x27: {  	s1 =	sld [smem:$0x3FAF]  }
0x28: {  	s2 =	sld [smem:$0x3FB0]  }
0x29: {  	s4 =	sld [smem:$0x3FB2]  }
0x2a: {  	p0 =	seq.s32 s5, $0x0;
	s5 =	sld [smem:$0x3FB3]  }
0x2b: {  	s6 =	sld [smem:$0x3FB4]  }
0x2c: {  	s7 =	sld [smem:$0x3FB5]  }
0x2d: {  	s3 =	simm.s32 $0x108;
	s8 =	sld [smem:$0x3FB6]  }
0x2e: {  	s3 =	simm.s32 @!p0 $0x1082;
	s9 =	sld [smem:$0x3FB7]  }
0x2f: {  	lr =	sadd.s32 s0, s3;
	s0 =	sld [smem:$0x3FAE]  }
0x30: {  	s3 =	sld [smem:$0x3FB1]  }
0x31: {  	[smem:$0x3FBA] =	sst s10  }
0x32: {  	s10 =	sld [smem:$0x3FB8];
	_ =	sdelay $0x3  }
0x33: {  	p0 =	seq.s32 s10, $0x1;
	s10 =	sld [smem:$0x3FBA];
	_ =	sdelay $0x3  }
0x34: {  	[smem:$0x3FBA] =	sst s10  }
0x35: {  	s10 =	sld [smem:$0x3FB9];
	_ =	sdelay $0x3  }
0x36: {  	p1 =	seq.s32 s10, $0x1;
	s10 =	sld [smem:$0x3FBA];
	_ =	sdelay $0x3  }
0x37: {  	[smem:$0x3FBA] =	sst s10  }
0x38: {  	s10 =	sld [smem:$0x3FBB]  }
0x39: {  	_ = 	snop;
	(pc) =	sbr.ind lr, $3  }
0x3a: {  	_ = 	snop  }
0x3b: {  	_ = 	snop  }
0x3c: {  	p2 =	seq.s32 s10, $0x1;
	s10 =	sld [smem:$0x3FBA]  }
0x3d: {  	_ =	shalt  }
0x3e: {  	_ =	shalt  }
0x3f: {  	_ =	shalt  }
0x40: {  	_ =	shalt  }
0x41: {  	_ =	shalt  }
0x42: {  	_ =	shalt  }
0x43: {  	_ =	shalt  }
0x44: {  	_ =	shalt  }
0x45: {  	_ =	shalt  }
0x46: {  	_ =	shalt  }
0x47: {  	_ =	shalt  }
0x48: {  	_ =	shalt  }
0x49: {  	_ =	shalt  }
0x4a: {  	_ =	shalt  }
0x4b: {  	_ =	shalt  }
0x4c: {  	_ =	shalt  }
0x4d: {  	_ =	shalt  }
0x4e: {  	_ =	shalt  }
0x4f: {  	_ =	shalt  }
0x50: {  	_ =	shalt  }
0x51: {  	_ =	shalt  }
0x52: {  	_ =	shalt  }
0x53: {  	_ =	shalt  }
0x54: {  	_ =	shalt  }
0x55: {  	_ =	shalt  }
0x56: {  	_ =	shalt  }
0x57: {  	_ =	shalt  }
0x58: {  	_ =	shalt  }
0x59: {  	_ =	shalt  }
0x5a: {  	_ =	shalt  }
0x5b: {  	_ =	shalt  }
0x5c: {  	_ =	shalt  }
0x5d: {  	_ =	shalt  }
0x5e: {  	_ =	shalt  }
0x5f: {  	_ =	shalt  }
0x60: {  	_ =	shalt  }
0x61: {  	_ =	shalt  }
0x62: {  	_ =	shalt  }
0x63: {  	_ =	shalt  }
0x64: {  	_ =	shalt  }
0x65: {  	_ =	shalt  }
0x66: {  	_ =	shalt  }
0x67: {  	_ =	shalt  }
0x68: {  	_ =	shalt  }
0x69: {  	_ =	shalt  }
0x6a: {  	_ =	shalt  }
0x6b: {  	_ =	shalt  }
0x6c: {  	_ =	shalt  }
0x6d: {  	_ =	shalt  }
0x6e: {  	_ =	shalt  }
0x6f: {  	_ =	shalt  }
0x70: {  	_ =	shalt  }
0x71: {  	_ =	shalt  }
0x72: {  	_ =	shalt  }
0x73: {  	_ =	shalt  }
0x74: {  	_ =	shalt  }
0x75: {  	_ =	shalt  }
0x76: {  	_ =	shalt  }
0x77: {  	_ =	shalt  }
0x78: {  	_ =	shalt  }
0x79: {  	_ =	shalt  }
0x7a: {  	_ =	shalt  }
0x7b: {  	_ =	shalt  }
0x7c: {  	_ =	shalt  }
0x7d: {  	_ =	shalt  }
0x7e: {  	_ =	shalt  }
0x7f: {  	_ =	shalt  }
0x80: {  	_ =	shalt  }
0x81: {  	_ =	shalt  }
0x82: {  	_ =	shalt  }
0x83: {  	_ =	shalt  }
0x84: {  	_ =	shalt  }
0x85: {  	_ =	shalt  }
0x86: {  	_ =	shalt  }
0x87: {  	_ =	shalt  }
.Lfunc_end0:
.L_simem_size_0:
called_computation.1_lowered:
.L_overlay_start_0:
0x88: {  	s2 =	sld [smem:$0x3FD9]  }
0x89: {  	s3 =	sld [smem:$0x3FFE];
	_ =	sdelay $0x1  }
0x8a: {  	s1 =	srdreg.scid  }
0x8b: {  	s0 =	sand.u32 $0x1, s1  }
0x8c: {  	s17 =	sshll.u32 s0, $0xA;
	s2 =	sadd.s32 s3, s2  }
0x8d: {  	s2 =	sadd.s32 s2, s17  }
0x8e: {  	[smem:$0x3FC6] =	sst s2  }
0x8f: {  	_ = 	snop  }
0x90: {  	s2 =	sld [smem:$0x3FD0];
	(tm) =	ssettm $0x1  }
0x91: {  	s18 =	sld [smem:$0x3FFB];
	_ =	sdelay $0x3  }
0x92: {  	_ =	strace s18  }
0x93: {  	s3 =	sld [smem:$0x3FFC];
	_ =	sdelay $0x3  }
0x94: {  	_ =	strace s3  }
0x95: {  	s3 =	sld [smem:$0x3FFD];
	_ =	sdelay $0x3  }
0x96: {  	_ =	strace s3  }
0x97: {  	_ =	strace $0x8FFFFFFF  }
0x98: {  	s19 =	sld [smem:$0x3FDB];
	_ =	sdelay $0x1  }
0x99: {  	s4 =	simm.s32 $_scs_section_size  }
0x9a: {  	s5 =	simm.s32 $_size__tile_overlayer_lowered;
	s6 =	simm.s32 $_tile_overlayer_lowered  }
0x9b: {  	s22 =	simm.s32 $0x1BFF;
	s21 =	sshll.u32 s6, $0x1;
	s3 =	sadd.s32 s4, s19  }
0x9c: {  	s7 =	simm.s32 $0x0;
	s20 =	sshll.u32 s5, $0x1;
	s5 =	sadd.s32 s21, s3  }
0x9d: {  	[timem:s7], [sflag:s22] =	dma.local [hbm:s5], s20  }
0x9e: {  	_ =	swait.ge [sflag:s22], s20  }
0x9f: {  	s4 =	ssub.s32 $0x0, s20;
	[sflag:s22] =	ssyncset.done $0x0  }
0xa0: {  	[sflag:s22] =	ssyncadd.s32 s4;
	_ =	sdelay $0x1  }
0xa1: {  	s23 =	simm.s32 $0x1B8B  }
0xa2: {  	_ =	swait.ge [sflag:s23], $0x1  }
0xa3: {  	[sflag:s23] =	ssyncset.done $0x0  }
0xa4: {  	s25 =	simm.s32 $0x1B8E;
	s24 =	sld [smem:$0x3FFE];
	[sflag:s23] =	ssyncadd.s32 $0xFFFFFFFF  }
0xa5: {  	s26 =	simm.s32 $execute0_lowered;
	[smem:$0x3FD2] =	sst s25  }
0xa6: {  	s5 =	sshll.u32 s26, $0x1;
	_ =	strace $0x80000046;
	[dreg:$0x1] =	wrdreg $0xFFFFFFFF  }
0xa7: {  	s28 =	simm.s32 $_size_execute0_lowered;
	s3 =	sadd.s32 s3, s5;
	[dreg:$0x0] =	wrdreg $0x0  }
0xa8: {  	s5 =	sshll.u32 s28, $0x1;
	[dreg:$0x2] =	wrdreg s3  }
0xa9: {  	[dreg:$0x3] =	wrdreg s5  }
0xaa: {  	[dreg:$0x4] =	wrdreg $0xC0  }
0xab: {  	_ =	task [dreg:s7], $0x5FFFF  }
0xac: {  	[dreg:$0x1] =	wrdreg $0xFFFFFFFF  }
0xad: {  	[dreg:$0x0] =	wrdreg $0x60  }
0xae: {  	[dreg:$0x2] =	wrdreg s2  }
0xaf: {  	[dreg:$0x3] =	wrdreg s24  }
0xb0: {  	[dreg:$0x4] =	wrdreg $0x9  }
0xb1: {  	_ =	task.clear_ibuf [dreg:s7], $0x5FFFF;
	_ =	strace $0x90000046  }
0xb2: {  	s29 =	simm.s32 $0x9;
	_ =	strace $0x80000048  }
0xb3: {  	_ =	swait.ge [sflag:s29], $0x1  }
0xb4: {  	[sflag:s29] =	ssyncadd.s32 $0xFFFFFFFF  }
0xb5: {  	_ =	strace $0x90000048  }
0xb6: {  	_ =	sfence  }
0xb7: {  	s30 =	sld [smem:$0x0];
	_ =	sdelay $0x2  }
0xb8: {  	s31 =	sshll.u32 s1, $0xD;
	s1 =	sshrl.u32 s1, $0x2  }
0xb9: {  	s3 =	sand.u32 $0x4000, s31;
	s1 =	sadd.s32 s1, s30  }
0xba: {  	s0 =	sor.u32 s3, s0;
	s1 =	sshll.u32 s1, $0x11  }
0xbb: {  	s0 =	sor.u32 s1, s0  }
0xbc: {  	s0 =	sadd.s32 $0x8F2B, s0  }
0xbd: {  	[sflag:s0] =	ssyncadd.remote.s32 $0x1  }
0xbe: {  	_ =	sfence.sel $0xFFFF  }
0xbf: {  	[dreg:$0x0] =	wrdreg $0xFFFFFFFF;
	(pc) =	sbr.abs _section_cstart, $3  }
0xc0: {  	[dreg:$0x1] =	wrdreg $0xFFFFFFFF  }
0xc1: {  	_ =	task.clear_ibuf [dreg:s7], $0x2FFFF;
	_ =	strace $0x9FFFFFFF  }
0xc2: {  	(tm) =	ssettm $0x7FFFFFFF  }
0xc3: {  	_ =	shalt  }
tec
execute0_lowered:
.L_overlay_start_1:
0x0: {  	(tag) =	ssettag $0x1  }
0x1: {  	s0 =	rddreg [dreg:$0x0];
	s1 =	srdreg.scid  }
0x2: {  	s2 =	stileid.u32;
	s4 =	rddreg [dreg:$0x1]  }
0x3: {  	s8 =	simm.s32 $0x11;
	s10 =	simm.s32 $0x80;
	s11 =	simm.s32 $0xC800  }
0x4: {  	s12 =	simm.s32 $0xE800;
	s16 =	simm.s32 $0x12800;
	s20 =	simm.s32 $0x16800  }
0x5: {  	s22 =	simm.s32 $0x18800;
	s24 =	simm.s32 $0x1A800;
	s28 =	simm.s32 $0x9  }
0x6: {  	s29 =	simm.s32 $0x4;
	s30 =	simm.s32 $0xB;
	s31 =	simm.s32 $0x6  }
0x7: {  	s9 =	simm.s32 $0xF;
	s13 =	simm.s32 $0x10;
	s14 =	simm.s32 $0x0  }
0x8: {  	s1 =	sand.u32 $0x1, s1;
	s3 =	sshll.u32 s2, $0x1;
	s2 =	simm.s32 $0x0  }
0x9: {  	s3 =	sor.u32 s1, s3;
	[smem:$0x7FF] =	sst s2;
	s1 =	ssub.s32 $0x2, s1  }
0xa: {  	s5 =	smul.u32 $0xC80, s3;
	_ =	strace $0x80000047;
	s7 =	sshrl.u32 s1, $0x1  }
.Ltmp0:
0xb: {  	s3 =	sadd.s32 $0xF5BE00, s4;
	s1 =	ssub.s32 s1, s7;
	(pc) =	sbr.rel .LBB2_1-.Ltmp0, $4  }
0xc: {  	s6 =	sadd.s32 s5, s4;
	s4 =	sadd.s32 $0x19A00, s4;
	s0 =	sadd.s32 s0, s5  }
0xd: {  	s26 =	smax.u32 s1, $0x1;
	s1 =	simm.s32 $0xD;
	[dreg:$0x3] =	wrdreg s0  }
0xe: {  	s25 =	sadd.s32 $0xA00, s6;
	[dreg:$0x5] =	wrdreg s26;
	s26 =	simm.s32 $0x2  }
0xf: {  	s0 =	simm.s32 $0x8;
	[dreg:$0x4] =	wrdreg s25;
	s25 =	simm.s32 $0x1  }
.LBB2_4:
0x10: {  	_ =	swait.ge [sflag:s13], $0x2000  }
0x11: {  	s14 =	sadd.s32 $0x1, s14;
	s5 =	rddreg [dreg:$0x5]  }
0x12: {  	p0 =	sne.s32 s14, s5  }
.Ltmp1:
0x13: {  	_ = 	snop;
	(pc) =	sbr.rel @!p0 .LBB2_5-.Ltmp1, $3  }
0x14: {  	_ =	sdelay $0x1  }
0x15: {  	[sflag:s13] =	ssyncset.done $0x0  }
0x16: {  	[sflag:s13] =	ssyncadd.s32 $0xFFFFE000  }
.LBB2_1:
0x17: {  	s5 =	rddreg [dreg:$0x3]  }
0x18: {  	[tilespmem:s2], [sflag:$0x11] =	stream.linear.gather [hbm4b:s5+s2], $0x6400, $0x38;
	[tilespmem:$0x1C800] =	vst v63  }
0x19: {  	_ =	swait.ge [sflag:s8], $0x6400  }
0x1a: {  	[sflag:s8] =	ssyncset.done $0x0  }
0x1b: {  	s6 =	simm.s32 $0x6400;
	s23 =	rddreg [dreg:$0x4];
	[sflag:s8] =	ssyncadd.s32 $0xFFFF9C00  }
0x1c: {  	[tilespmem:s6], [sflag:$0x11] =	stream.linear.gather [hbm4b:s23+s2], $0x6400, $0x38;
	[tilespmem:$0x1C800] =	vst v63  }
0x1d: {  	_ =	swait.ge [sflag:s8], $0x6400  }
0x1e: {  	[sflag:s8] =	ssyncset.done $0x0  }
0x1f: {  	[sflag:s8] =	ssyncadd.s32 $0xFFFF9C00  }
0x20: {  	[tilespmem:s11], [sflag:$0x1] =	stream.indirect.gather [hbm4b:s3+s10], $0x40, s2, s10, $0xb8;
	[tilespmem:$0x1C800] =	vst v63  }
0x21: {  	_ = 	snop  }
0x22: {  	[tilespmem:s12], [sflag:$0x2] =	stream.indirect.gather [hbm4b:s3+s10], $0x40, s10, s10, $0xb8;
	[tilespmem:$0x1C800] =	vst v63  }
0x23: {  	s7 =	simm.s32 $0x10800;
	s6 =	simm.s32 $0x100  }
0x24: {  	[tilespmem:s7], [sflag:$0x3] =	stream.indirect.gather [hbm4b:s3+s10], $0x40, s6, s10, $0xb8;
	[tilespmem:$0x1C800] =	vst v63  }
0x25: {  	s15 =	simm.s32 $0x180  }
0x26: {  	[tilespmem:s16], [sflag:$0x4] =	stream.indirect.gather [hbm4b:s3+s10], $0x40, s15, s10, $0xb8;
	[tilespmem:$0x1C800] =	vst v63  }
0x27: {  	s17 =	simm.s32 $0x200;
	s18 =	simm.s32 $0x14800  }
0x28: {  	[tilespmem:s18], [sflag:$0x5] =	stream.indirect.gather [hbm4b:s3+s10], $0x40, s17, s10, $0xb8;
	[tilespmem:$0x1C800] =	vst v63  }
0x29: {  	s19 =	simm.s32 $0x280  }
0x2a: {  	[tilespmem:s20], [sflag:$0x6] =	stream.indirect.gather [hbm4b:s3+s10], $0x40, s19, s10, $0xb8;
	[tilespmem:$0x1C800] =	vst v63  }
0x2b: {  	s21 =	simm.s32 $0x300  }
0x2c: {  	[tilespmem:s22], [sflag:$0x7] =	stream.indirect.gather [hbm4b:s3+s10], $0x40, s21, s10, $0xb8;
	[tilespmem:$0x1C800] =	vst v63  }
0x2d: {  	s23 =	simm.s32 $0x380;
	s15 =	simm.s32 $0x0  }
0x2e: {  	[tilespmem:s24], [sflag:$0x8] =	stream.indirect.gather [hbm4b:s3+s10], $0x40, s23, s10, $0xb8;
	[tilespmem:$0x1C800] =	vst v63  }
.LBB2_2:
0x2f: {  	_ =	swait.ge [sflag:s25], $0x2000  }
0x30: {  	s17 =	sshra.s32 s15, $0x2;
	[sflag:s25] =	ssyncset.done $0x0  }
0x31: {  	p0 =	seq.s32 s15, $0x0;
	s18 =	sadd.s32 $0x6400, s17;
	[sflag:s25] =	ssyncadd.s32 $0xFFFFE000  }
0x32: {  	[hbm4b:s4+s10] =	stream.indirect.scatter [tilespmem:s11], [sflag:$0x9], $0x40, s18, s10, $0xb8;
	[tilespmem:$0x1C800] =	vst v63  }
0x33: {  	s18 =	simm.s32 @!p0 $0x10  }
0x34: {  	_ =	swait.ge @!p0 [sflag:s18], $0x2000  }
0x35: {  	[sflag:s18] =	ssyncset.done @!p0 $0x0  }
0x36: {  	[sflag:s18] =	ssyncadd.s32 @!p0 $0xFFFFE000;
	s18 =	sshra.s32 @!p0 s15, $0x2  }
0x37: {  	s19 =	simm.s32 @!p0 $0x80;
	s21 =	simm.s32 @!p0 $0x1A800;
	s18 =	sadd.s32 @!p0 $0x380, s18  }
0x38: {  	[tilespmem:s21], [sflag:$0x8] =	stream.indirect.gather @!p0 [hbm4b:s3+s19], $0x40, s18, s19, $0xb8;
	[tilespmem:$0x1C800] =	vst v63  }
0x39: {  	_ =	swait.ge [sflag:s26], $0x2000  }
0x3a: {  	[sflag:s26] =	ssyncset.done $0x0  }
0x3b: {  	s6 =	sadd.s32 $0x6480, s17;
	[sflag:s26] =	ssyncadd.s32 $0xFFFFE000  }
0x3c: {  	[hbm4b:s4+s10] =	stream.indirect.scatter [tilespmem:s12], [sflag:$0xA], $0x40, s6, s10, $0xb8;
	[tilespmem:$0x1C800] =	vst v63  }
0x3d: {  	_ =	swait.ge [sflag:s28], $0x2000  }
0x3e: {  	p0 =	seq.s32 s15, $0x18000;
	[sflag:s28] =	ssyncset.done $0x0  }
0x3f: {  	s18 =	simm.s32 @p0 $0x3;
	[sflag:s28] =	ssyncadd.s32 $0xFFFFE000  }
0x40: {  	_ =	swait.ge @p0 [sflag:s18], $0x2000  }
0x41: {  	s21 =	sshra.s32 @p0 s15, $0x2;
	s23 =	simm.s32 @p0 $0x80;
	[sflag:s18] =	ssyncset.done @p0 $0x0  }
0x42: {  	s19 =	simm.s32 @p0 $0x10800;
	[sflag:s18] =	ssyncadd.s32 @p0 $0xFFFFE000;
	s18 =	sadd.s32 @p0 $0x6500, s21  }
0x43: {  	[hbm4b:s4+s23] =	stream.indirect.scatter @p0 [tilespmem:s19], [sflag:$0xB], $0x40, s18, s23, $0xb8;
	[tilespmem:$0x1C800] =	vst v63  }
0x44: {  	s18 =	simm.s32 @p0 $0xA  }
0x45: {  	_ =	swait.ge @p0 [sflag:s18], $0x2000  }
0x46: {  	[sflag:s18] =	ssyncset.done @p0 $0x0  }
0x47: {  	[sflag:s18] =	ssyncadd.s32 @p0 $0xFFFFE000;
	s18 =	sshra.s32 @!p0 s15, $0x2  }
0x48: {  	s6 =	simm.s32 @!p0 $0xC800;
	s19 =	simm.s32 @!p0 $0x80;
	s5 =	sadd.s32 @!p0 $0x400, s18  }
0x49: {  	[tilespmem:s6], [sflag:$0x1] =	stream.indirect.gather @!p0 [hbm4b:s3+s19], $0x40, s5, s19, $0xb8;
	[tilespmem:$0x1C800] =	vst v63  }
0x4a: {  	s5 =	simm.s32 @!p0 $0x3  }
0x4b: {  	_ =	swait.ge @!p0 [sflag:s5], $0x2000  }
0x4c: {  	[sflag:s5] =	ssyncset.done @!p0 $0x0  }
0x4d: {  	s6 =	simm.s32 @!p0 $0x10800;
	[sflag:s5] =	ssyncadd.s32 @!p0 $0xFFFFE000;
	s5 =	sadd.s32 @!p0 $0x6500, s18  }
0x4e: {  	[hbm4b:s4+s19] =	stream.indirect.scatter @!p0 [tilespmem:s6], [sflag:$0xB], $0x40, s5, s19, $0xb8;
	[tilespmem:$0x1C800] =	vst v63  }
0x4f: {  	s5 =	simm.s32 @!p0 $0xA  }
0x50: {  	_ =	swait.ge @!p0 [sflag:s5], $0x2000  }
0x51: {  	[sflag:s5] =	ssyncset.done @!p0 $0x0  }
0x52: {  	s7 =	simm.s32 @!p0 $0xE800;
	[sflag:s5] =	ssyncadd.s32 @!p0 $0xFFFFE000;
	s5 =	sadd.s32 @!p0 $0x480, s18  }
0x53: {  	[tilespmem:s7], [sflag:$0x2] =	stream.indirect.gather @!p0 [hbm4b:s3+s19], $0x40, s5, s19, $0xb8;
	[tilespmem:$0x1C800] =	vst v63  }
0x54: {  	_ =	swait.ge [sflag:s29], $0x2000  }
0x55: {  	[sflag:s29] =	ssyncset.done $0x0  }
0x56: {  	s7 =	sadd.s32 $0x6580, s17;
	[sflag:s29] =	ssyncadd.s32 $0xFFFFE000  }
0x57: {  	[hbm4b:s4+s10] =	stream.indirect.scatter [tilespmem:s16], [sflag:$0xC], $0x40, s7, s10, $0xb8;
	[tilespmem:$0x1C800] =	vst v63  }
0x58: {  	_ =	swait.ge [sflag:s30], $0x2000  }
0x59: {  	[sflag:s30] =	ssyncset.done $0x0  }
0x5a: {  	s5 =	simm.s32 @p0 $0x5;
	[sflag:s30] =	ssyncadd.s32 $0xFFFFE000  }
0x5b: {  	_ =	swait.ge @p0 [sflag:s5], $0x2000  }
0x5c: {  	[sflag:s5] =	ssyncset.done @p0 $0x0  }
0x5d: {  	s7 =	simm.s32 @p0 $0x14800;
	[sflag:s5] =	ssyncadd.s32 @p0 $0xFFFFE000;
	s5 =	sadd.s32 @p0 $0x6600, s21  }
0x5e: {  	[hbm4b:s4+s23] =	stream.indirect.scatter @p0 [tilespmem:s7], [sflag:$0xD], $0x40, s5, s23, $0xb8;
	[tilespmem:$0x1C800] =	vst v63  }
0x5f: {  	s5 =	simm.s32 @p0 $0xC  }
0x60: {  	_ =	swait.ge @p0 [sflag:s5], $0x2000  }
0x61: {  	[sflag:s5] =	ssyncset.done @p0 $0x0  }
0x62: {  	[sflag:s5] =	ssyncadd.s32 @p0 $0xFFFFE000;
	s5 =	sadd.s32 @!p0 $0x500, s18  }
0x63: {  	[tilespmem:s6], [sflag:$0x3] =	stream.indirect.gather @!p0 [hbm4b:s3+s19], $0x40, s5, s19, $0xb8;
	[tilespmem:$0x1C800] =	vst v63  }
0x64: {  	s5 =	simm.s32 @!p0 $0x5  }
0x65: {  	_ =	swait.ge @!p0 [sflag:s5], $0x2000  }
0x66: {  	[sflag:s5] =	ssyncset.done @!p0 $0x0  }
0x67: {  	s6 =	simm.s32 @!p0 $0x14800;
	[sflag:s5] =	ssyncadd.s32 @!p0 $0xFFFFE000;
	s5 =	sadd.s32 @!p0 $0x6600, s18  }
0x68: {  	[hbm4b:s4+s19] =	stream.indirect.scatter @!p0 [tilespmem:s6], [sflag:$0xD], $0x40, s5, s19, $0xb8;
	[tilespmem:$0x1C800] =	vst v63  }
0x69: {  	s5 =	simm.s32 @!p0 $0xC  }
0x6a: {  	_ =	swait.ge @!p0 [sflag:s5], $0x2000  }
0x6b: {  	[sflag:s5] =	ssyncset.done @!p0 $0x0  }
0x6c: {  	s7 =	simm.s32 @!p0 $0x12800;
	[sflag:s5] =	ssyncadd.s32 @!p0 $0xFFFFE000;
	s5 =	sadd.s32 @!p0 $0x580, s18  }
0x6d: {  	[tilespmem:s7], [sflag:$0x4] =	stream.indirect.gather @!p0 [hbm4b:s3+s19], $0x40, s5, s19, $0xb8;
	[tilespmem:$0x1C800] =	vst v63  }
0x6e: {  	_ =	swait.ge [sflag:s31], $0x2000  }
0x6f: {  	[sflag:s31] =	ssyncset.done $0x0  }
0x70: {  	s7 =	sadd.s32 $0x6680, s17;
	[sflag:s31] =	ssyncadd.s32 $0xFFFFE000  }
0x71: {  	[hbm4b:s4+s10] =	stream.indirect.scatter [tilespmem:s20], [sflag:$0xE], $0x40, s7, s10, $0xb8;
	[tilespmem:$0x1C800] =	vst v63  }
0x72: {  	_ =	swait.ge [sflag:s1], $0x2000  }
0x73: {  	[sflag:s1] =	ssyncset.done $0x0  }
0x74: {  	s5 =	simm.s32 @p0 $0x7;
	[sflag:s1] =	ssyncadd.s32 $0xFFFFE000  }
0x75: {  	_ =	swait.ge @p0 [sflag:s5], $0x2000  }
0x76: {  	[sflag:s5] =	ssyncset.done @p0 $0x0  }
0x77: {  	s7 =	simm.s32 @p0 $0x18800;
	[sflag:s5] =	ssyncadd.s32 @p0 $0xFFFFE000;
	s5 =	sadd.s32 @p0 $0x6700, s21  }
0x78: {  	[hbm4b:s4+s23] =	stream.indirect.scatter @p0 [tilespmem:s7], [sflag:$0xF], $0x40, s5, s23, $0xb8;
	[tilespmem:$0x1C800] =	vst v63  }
0x79: {  	s5 =	simm.s32 @p0 $0xE  }
0x7a: {  	_ =	swait.ge @p0 [sflag:s5], $0x2000  }
0x7b: {  	[sflag:s5] =	ssyncset.done @p0 $0x0  }
0x7c: {  	[sflag:s5] =	ssyncadd.s32 @p0 $0xFFFFE000;
	s5 =	sadd.s32 @!p0 $0x600, s18  }
0x7d: {  	[tilespmem:s6], [sflag:$0x5] =	stream.indirect.gather @!p0 [hbm4b:s3+s19], $0x40, s5, s19, $0xb8;
	[tilespmem:$0x1C800] =	vst v63  }
0x7e: {  	s5 =	simm.s32 @!p0 $0x7  }
0x7f: {  	_ =	swait.ge @!p0 [sflag:s5], $0x2000  }
0x80: {  	[sflag:s5] =	ssyncset.done @!p0 $0x0  }
0x81: {  	s6 =	simm.s32 @!p0 $0x18800;
	[sflag:s5] =	ssyncadd.s32 @!p0 $0xFFFFE000;
	s5 =	sadd.s32 @!p0 $0x6700, s18  }
0x82: {  	[hbm4b:s4+s19] =	stream.indirect.scatter @!p0 [tilespmem:s6], [sflag:$0xF], $0x40, s5, s19, $0xb8;
	[tilespmem:$0x1C800] =	vst v63  }
0x83: {  	s5 =	simm.s32 @!p0 $0xE  }
0x84: {  	_ =	swait.ge @!p0 [sflag:s5], $0x2000  }
0x85: {  	[sflag:s5] =	ssyncset.done @!p0 $0x0  }
0x86: {  	s6 =	simm.s32 @!p0 $0x16800;
	[sflag:s5] =	ssyncadd.s32 @!p0 $0xFFFFE000;
	s5 =	sadd.s32 @!p0 $0x680, s18  }
0x87: {  	[tilespmem:s6], [sflag:$0x6] =	stream.indirect.gather @!p0 [hbm4b:s3+s19], $0x40, s5, s19, $0xb8;
	[tilespmem:$0x1C800] =	vst v63  }
0x88: {  	_ =	swait.ge [sflag:s0], $0x2000  }
0x89: {  	[sflag:s0] =	ssyncset.done $0x0  }
.Ltmp2:
0x8a: {  	s23 =	sadd.s32 $0x6780, s17;
	[sflag:s0] =	ssyncadd.s32 $0xFFFFE000;
	(pc) =	sbr.rel @p0 .LBB2_4-.Ltmp2, $4  }
0x8b: {  	[hbm4b:s4+s10] =	stream.indirect.scatter [tilespmem:s24], [sflag:$0x10], $0x40, s23, s10, $0xb8;
	[tilespmem:$0x1C800] =	vst v63  }
0x8c: {  	_ =	swait.ge [sflag:s9], $0x2000  }
0x8d: {  	[sflag:s9] =	ssyncset.done $0x0  }
0x8e: {  	[sflag:s9] =	ssyncadd.s32 $0xFFFFE000  }
.Ltmp3:
0x8f: {  	(pc) =	sbr.rel .LBB2_2-.Ltmp3, $3  }
0x90: {  	_ =	sdelay $0x1  }
0x91: {  	s5 =	sadd.s32 $0x700, s17;
	s15 =	sadd.s32 $0x1000, s15  }
0x92: {  	[tilespmem:s22], [sflag:$0x7] =	stream.indirect.gather [hbm4b:s3+s10], $0x40, s5, s10, $0xb8;
	[tilespmem:$0x1C800] =	vst v63  }
.LBB2_5:
0x93: {  	_ =	sfence.sel $0x180000  }
0x94: {  	[bflag:$0x0] =	sbarrier.arrive $0xFFFF  }
0x95: {  	_ =	strace $0x90000047  }
0x96: {  	s0 =	stileid.u32;
	[bflag:$0x2] =	sbarrier.arrive $0xFFFF  }
0x97: {  	p0 =	sne.s32 s0, $0x0;
	s0 =	rddreg [dreg:$0x2]  }
0x98: {  	s0 =	sadd.s32 @!p0 $0x100000, s0  }
0x99: {  	[sflag:s0] =	ssyncadd.tile.s32 @!p0 $0x1;
	_ =	shalt  }
.Lfunc_end2:
_tile_overlayer_lowered:
.L_overlay_start_2:
0x9a: {  	(tag) =	ssettag $0x2  }
0x9b: {  	s0 =	rddreg [dreg:$0x0];
	s2 =	stileid.u32  }
0x9c: {  	s1 =	rddreg [dreg:$0x1];
	p0 =	sne.s32 s2, $0x0  }
0x9d: {  	s3 =	rddreg [dreg:$0x2];
	[bflag:$0x3] =	sbarrier.arrive $0xFFFF;
	s2 =	simm.s32 @!p0 $0x1C11  }
0x9e: {  	[timem:s3], [sflag:s2] =	dma.local @!p0 [hbm:s0], s1  }
0x9f: {  	s0 =	simm.s32 @!p0 $0x11  }
0xa0: {  	_ =	swait.ge @!p0 [sflag:s0], s1  }
0xa1: {  	s1 =	ssub.s32 @!p0 $0x0, s1;
	[sflag:s0] =	ssyncset.done @!p0 $0x0  }
0xa2: {  	[sflag:s0] =	ssyncadd.s32 @!p0 s1  }
0xa3: {  	[bflag:$0x3] =	sbarrier.arrive $0xFFFF  }
0xa4: {  	_ =	shalt  }

// kernel: sparse-core-data-format-call.cloned.1.call-start
scs
called_computation_lowered:
.L_overlay_start_0:
0x0: {  	s2 =	sld [smem:$0x3FD9]  }
0x1: {  	s3 =	sld [smem:$0x3FFE];
	_ =	sdelay $0x1  }
0x2: {  	s1 =	srdreg.scid  }
0x3: {  	s0 =	sand.u32 $0x1, s1  }
0x4: {  	s18 =	sshll.u32 s0, $0xA;
	s2 =	sadd.s32 s3, s2  }
0x5: {  	s2 =	sadd.s32 s2, s18  }
0x6: {  	[smem:$0x3FC6] =	sst s2  }
0x7: {  	_ = 	snop  }
0x8: {  	s2 =	sld [smem:$0x3FD0];
	(tm) =	ssettm $0x1  }
0x9: {  	s19 =	sld [smem:$0x3FFB];
	_ =	sdelay $0x3  }
0xa: {  	_ =	strace s19  }
0xb: {  	s3 =	sld [smem:$0x3FFC];
	_ =	sdelay $0x3  }
0xc: {  	_ =	strace s3  }
0xd: {  	s3 =	sld [smem:$0x3FFD];
	_ =	sdelay $0x3  }
0xe: {  	_ =	strace s3  }
0xf: {  	_ =	strace $0x8FFFFFFF  }
0x10: {  	s20 =	sld [smem:$0x3FDB];
	_ =	sdelay $0x1  }
0x11: {  	s4 =	simm.s32 $_scs_section_size  }
0x12: {  	s5 =	simm.s32 $_size__tile_overlayer_lowered;
	s6 =	simm.s32 $_tile_overlayer_lowered  }
0x13: {  	s23 =	simm.s32 $0x1BFF;
	s22 =	sshll.u32 s6, $0x1;
	s3 =	sadd.s32 s4, s20  }
0x14: {  	s7 =	simm.s32 $0x0;
	s21 =	sshll.u32 s5, $0x1;
	s5 =	sadd.s32 s22, s3  }
0x15: {  	[timem:s7], [sflag:s23] =	dma.local [hbm:s5], s21  }
0x16: {  	_ =	swait.ge [sflag:s23], s21  }
0x17: {  	s4 =	ssub.s32 $0x0, s21;
	[sflag:s23] =	ssyncset.done $0x0  }
0x18: {  	[sflag:s23] =	ssyncadd.s32 s4;
	_ =	sdelay $0x1  }
0x19: {  	s24 =	simm.s32 $0x1B8B  }
0x1a: {  	_ =	swait.ge [sflag:s24], $0x1  }
0x1b: {  	[sflag:s24] =	ssyncset.done $0x0  }
0x1c: {  	s26 =	simm.s32 $0x1B8E;
	s25 =	sld [smem:$0x3FFE];
	[sflag:s24] =	ssyncadd.s32 $0xFFFFFFFF  }
0x1d: {  	s27 =	simm.s32 $execute0_lowered;
	[smem:$0x3FD2] =	sst s26  }
0x1e: {  	s5 =	sshll.u32 s27, $0x1;
	_ =	strace $0x80000049;
	[dreg:$0x1] =	wrdreg $0xFFFFFFFF  }
0x1f: {  	s28 =	simm.s32 $_size_execute0_lowered;
	s3 =	sadd.s32 s3, s5;
	[dreg:$0x0] =	wrdreg $0x0  }
0x20: {  	s5 =	sshll.u32 s28, $0x1;
	[dreg:$0x2] =	wrdreg s3  }
0x21: {  	[dreg:$0x3] =	wrdreg s5  }
0x22: {  	[dreg:$0x4] =	wrdreg $0xC0  }
0x23: {  	_ =	task [dreg:s7], $0x5FFFF  }
0x24: {  	[dreg:$0x1] =	wrdreg $0xFFFFFFFF  }
0x25: {  	[dreg:$0x0] =	wrdreg $0x60  }
0x26: {  	[dreg:$0x2] =	wrdreg s25  }
0x27: {  	[dreg:$0x3] =	wrdreg s2  }
0x28: {  	[dreg:$0x4] =	wrdreg $0x9  }
0x29: {  	_ =	task.clear_ibuf [dreg:s7], $0x5FFFF;
	_ =	strace $0x90000049  }
0x2a: {  	s29 =	simm.s32 $0x9;
	_ =	strace $0x8000004B  }
0x2b: {  	_ =	swait.ge [sflag:s29], $0x1  }
0x2c: {  	[sflag:s29] =	ssyncadd.s32 $0xFFFFFFFF  }
0x2d: {  	_ =	strace $0x9000004B  }
0x2e: {  	_ =	sfence  }
0x2f: {  	s30 =	sld [smem:$0x0];
	_ =	sdelay $0x2  }
0x30: {  	s31 =	sshll.u32 s1, $0xD;
	s1 =	sshrl.u32 s1, $0x2  }
0x31: {  	s3 =	sand.u32 $0x4000, s31;
	s1 =	sadd.s32 s1, s30  }
0x32: {  	s0 =	sor.u32 s3, s0;
	s1 =	sshll.u32 s1, $0x11  }
0x33: {  	s0 =	sor.u32 s1, s0  }
0x34: {  	s0 =	sadd.s32 $0x8F2B, s0  }
0x35: {  	[sflag:s0] =	ssyncadd.remote.s32 $0x1  }
0x36: {  	_ =	sfence.sel $0xFFFF  }
0x37: {  	[dreg:$0x0] =	wrdreg $0xFFFFFFFF;
	(pc) =	sbr.abs _section_cstart, $3  }
0x38: {  	[dreg:$0x1] =	wrdreg $0xFFFFFFFF  }
0x39: {  	_ =	task.clear_ibuf [dreg:s7], $0x2FFFF;
	_ =	strace $0x9FFFFFFF  }
0x3a: {  	(tm) =	ssettm $0x7FFFFFFF  }
0x3b: {  	_ =	shalt  }
tec
execute0_lowered:
.L_overlay_start_1:
0x0: {  	(tag) =	ssettag $0x1  }
0x1: {  	s0 =	srdreg.scid  }
0x2: {  	s1 =	sshll.u32 s0, $0x4  }
0x3: {  	s0 =	stileid.u32;
	s1 =	sand.u32 $0x10, s1  }
0x4: {  	s1 =	sor.u32 s0, s1  }
0x5: {  	s6 =	rddreg [dreg:$0x0];
	s4 =	simm.s32 $0x1;
	s2 =	sshll.u32 s1, $0x7  }
0x6: {  	s7 =	simm.s32 $0x2;
	s12 =	simm.s32 $0x0;
	s1 =	ssub.s32 $0x4000, s2  }
0x7: {  	s8 =	simm.s32 $0x20000;
	s13 =	simm.s32 $0x0;
	s3 =	sand.u32 $0xF80, s1  }
0x8: {  	s9 =	simm.s32 $0x0;
	s5 =	sshrl.u32 s1, $0xC;
	p0 =	sne.s32 s3, $0x0  }
.Ltmp0:
0x9: {  	s1 =	rddreg [dreg:$0x2];
	s4 =	simm.s32 @!p0 $0x0;
	(pc) =	sbr.rel .LBB1_1-.Ltmp0, $4  }
0xa: {  	s11 =	simm.s32 $0x0;
	s3 =	rddreg [dreg:$0x1];
	s5 =	sadd.s32 s4, s5  }
0xb: {  	_ =	strace $0x8000004A;
	s4 =	simm.s32 $0x1;
	s5 =	smul.u32 $0x32, s5  }
0xc: {  	s6 =	sadd.s32 $0x19A00, s6;
	s10 =	smov.u32 s2;
	[sflag:s4] =	ssyncpa.u1 $0x0  }
0xd: {  	p0 =	por $0x0, $0x0;
	[sflag:s7] =	ssyncpa.u1 $0x0;
	s7 =	sor.u32 $0x1, s5  }
.LBB1_4:
0xe: {  	s16 =	sshll.u32 s13, $0x3;
	s17 =	sand.u32 $0x78, s13  }
0xf: {  	s30 =	sand.u32 $0x1F800, s13;
	s12 =	sshll.u32 s12, $0x11;
	s16 =	sand.u32 $0x3C00, s16  }
0x10: {  	[tilespmem:s15+$0x810 ss:$0x81] =	vst.msk $0xffff, v2;
	s31 =	sand.u32 $0x7, s13;
	s16 =	sor.u32 s17, s16;
	s17 =	sadd.s32 s3, s30  }
0x11: {  	[tilespmem:s15+$0x1020 ss:$0x81] =	vst.msk $0xffff, v0;
	s13 =	sshll.u32 s31, $0x12;
	s12 =	sadd.s32 s12, s17;
	s16 =	sshrl.u32 s16, $0x3  }
0x12: {  	[tilespmem:s15+$0x0 ss:$0x81] =	vst.msk $0xffff, v1;
	s13 =	sor.u32 $0x400, s13;
	s12 =	sadd.s32 s16, s12  }
0x13: {  	[hbm4b:s12+s13] =	stream.strided.scatter [tilespmem:s14], [sflag:$0x2], $0x2000, s8, s13, $0x20;
	[tilespmem:$0x8080] =	vst v63  }
.LBB1_5:
0x14: {  	s14 =	sadd.s32 $0x1, s9  }
0x15: {  	s12 =	sadd.s32 $0x1000, s10;
	s16 =	smov.u32 s10;
	p2 =	sgt.s32 s14, $0x31  }
0x16: {  	s16 =	smov.u32 @p2 s12  }
0x17: {  	s14 =	simm.s32 @p2 $0x0;
	p2 =	sgt.s32 s16, $0x3FFF  }
0x18: {  	s16 =	smov.u32 @p2 s2;
	p2 =	sne.s32 s11, s7  }
.Ltmp1:
0x19: {  	p1 =	slt.u32 s11, $0x2;
	(pc) =	sbr.rel @!p2 .LBB1_6-.Ltmp1, $4  }
0x1a: {  	s15 =	simm.s32 @!p1 $0x2  }
0x1b: {  	s13 =	smov.u32 s10;
	p0 =	por !p0, !p0;
	_ =	swait.ge @!p1 [sflag:s15], $0x2000  }
0x1c: {  	s12 =	smov.u32 s9;
	[sflag:s15] =	ssyncset.done @!p1 $0x0;
	s9 =	smov.u32 s14  }
0x1d: {  	s11 =	sadd.s32 $0x1, s11;
	[sflag:s15] =	ssyncadd.s32 @!p1 $0xFFFFE000;
	s10 =	smov.u32 s16  }
.LBB1_1:
0x1e: {  	p1 =	sge.u32 s11, s5  }
0x1f: {  	s14 =	sand.u32 @!p1 $0x1FFFFFF, s9  }
0x20: {  	s15 =	smulhi.u32 @!p1 $0x4924925, s14;
	_ =	sdelay $0x1  }
0x21: {  	s15 =	smul.u32 @!p1 $0x38, s15  }
0x22: {  	s16 =	sxor.u32 @!p1 $0xFFFFFFFF, s11;
	s17 =	smul.u32 @!p1 $0x380, s10  }
0x23: {  	s31 =	sadd.s32 $0xFFFFFFFF, s11;
	s16 =	sshll.u32 @!p1 s16, $0xD;
	s14 =	ssub.s32 @!p1 s14, s15  }
0x24: {  	s15 =	sand.u32 @!p1 $0x2000, s16;
	s16 =	sadd.s32 @!p1 s6, s17;
	s14 =	sshll.u32 @!p1 s14, $0x4  }
0x25: {  	s17 =	simm.s32 @!p1 $0x1C00;
	s14 =	sadd.s32 @!p1 s14, s16;
	s16 =	simm.s32 @!p1 $0x40  }
0x26: {  	[tilespmem:s15], [sflag:$0x1] =	stream.strided.gather @!p1 [hbm4b:s14+s16], $0x2000, s17, s16, $0x38;
	[tilespmem:$0x8080] =	vst v63  }
0x27: {  	p1 =	sge.u32 s31, s5  }
.Ltmp2:
0x28: {  	_ = 	snop;
	(pc) =	sbr.rel @p1 .LBB1_5-.Ltmp2, $1  }
0x29: {  	_ =	sdelay $0x3  }
0x2a: {  	s14 =	simm.s32 $0x1  }
0x2b: {  	_ =	swait.ge [sflag:s4], $0x2000;
	s14 =	simm.s32 @!p0 $0x0  }
0x2c: {  	[sflag:s4] =	ssyncset.done $0x0;
	s15 =	sshll.u32 s14, $0xD  }
0x2d: {  	[sflag:s4] =	ssyncadd.s32 $0xFFFFE000;
	s18 =	sor.u32 $0x20, s15  }
0x2e: {  	s14 =	smul.u32 $0x8100, s14;
	v3 =	vld [tilespmem:s18+$0x10]  }
0x2f: {  	s30 =	sand.u32 $0x1, s11;
	v2 =	vld [tilespmem:s18+$0xFFFFFFF0]  }
0x30: {  	s15 =	smul.u32 $0x8100, s30;
	s14 =	sshrl.u32 s14, $0x2;
	v0 =	vld [tilespmem:s18+$0x0]  }
0x31: {  	v1 =	vld [tilespmem:s18+$0xFFFFFFE0];
	s16 =	sor.u32 $0x4000, s14  }
0x32: {  	s31 =	sshrl.u32 s15, $0x2;
	s15 =	sadd.s32 $0x0, s16  }
0x33: {  	s17 =	simm.s32 $0x4;
	s18 =	sadd.s32 $0x40, s18;
	s14 =	sor.u32 $0x4000, s31;
	[tilespmem:s15+$0x1830 ss:$0x81] =	vst.msk $0xffff, v3  }
.LBB1_3:
0x34: {  	v3 =	vld [tilespmem:s18+$0x10];
	p1 =	sne.s32 s17, $0x1FC;
	[tilespmem:s15+$0x810 ss:$0x81] =	vst.msk $0xffff, v2;
	s19 =	smov.u32 s17;
	s17 =	sadd.s32 $0x4, s17  }
.Ltmp3:
0x35: {  	v2 =	vld [tilespmem:s18+$0xFFFFFFF0];
	[tilespmem:s15+$0x1020 ss:$0x81] =	vst.msk $0xffff, v0;
	(pc) =	sbr.rel @p1 .LBB1_3-.Ltmp3, $4  }
0x36: {  	v0 =	vld [tilespmem:s18+$0x0];
	[tilespmem:s15+$0x0 ss:$0x81] =	vst.msk $0xffff, v1  }
0x37: {  	s15 =	sshra.s32 s19, $0x2;
	v1 =	vld [tilespmem:s18+$0xFFFFFFE0]  }
0x38: {  	s15 =	sadd.s32 s15, s16  }
0x39: {  	s18 =	sadd.s32 $0x40, s18;
	[tilespmem:s15+$0x1830 ss:$0x81] =	vst.msk $0xffff, v3  }
.Ltmp4:
0x3a: {  	_ = 	snop;
	(pc) =	sbr.rel .LBB1_4-.Ltmp4, $1  }
0x3b: {  	_ =	sdelay $0x3  }
.LBB1_6:
0x3c: {  	_ =	sfence.sel $0x180000  }
0x3d: {  	s2 =	simm.s32 $0x1;
	[bflag:$0x0] =	sbarrier.arrive $0xFFFF  }
0x3e: {  	s31 =	simm.s32 $0x2;
	[sflag:s2] =	ssyncpa.u1 $0x1  }
0x3f: {  	[sflag:s31] =	ssyncpa.u1 $0x1  }
0x40: {  	p0 =	sne.s32 s0, $0x0;
	_ =	strace $0x9000004A  }
0x41: {  	s0 =	sadd.s32 @!p0 $0x100000, s1;
	[bflag:$0x2] =	sbarrier.arrive $0xFFFF  }
0x42: {  	[sflag:s0] =	ssyncadd.tile.s32 @!p0 $0x1;
	_ =	shalt  }
.Lfunc_end1:
_tile_overlayer_lowered:
.L_overlay_start_2:
0x43: {  	(tag) =	ssettag $0x2  }
0x44: {  	s0 =	rddreg [dreg:$0x0];
	s2 =	stileid.u32  }
0x45: {  	s1 =	rddreg [dreg:$0x1];
	p0 =	sne.s32 s2, $0x0  }
0x46: {  	s3 =	rddreg [dreg:$0x2];
	[bflag:$0x3] =	sbarrier.arrive $0xFFFF;
	s2 =	simm.s32 @!p0 $0x1C01  }
0x47: {  	[timem:s3], [sflag:s2] =	dma.local @!p0 [hbm:s0], s1  }
0x48: {  	s0 =	simm.s32 @!p0 $0x1  }
0x49: {  	_ =	swait.ge @!p0 [sflag:s0], s1  }
0x4a: {  	s1 =	ssub.s32 @!p0 $0x0, s1;
	[sflag:s0] =	ssyncset.done @!p0 $0x0  }
0x4b: {  	[sflag:s0] =	ssyncadd.s32 @!p0 s1  }
0x4c: {  	[bflag:$0x3] =	sbarrier.arrive $0xFFFF  }
0x4d: {  	_ =	shalt  }

</sc_bundles>
